<compile_context>
chip_gen: v7x
topology: tpu7x:2x2x1
jax: 0.10.2.dev20260603
libtpu: 0.0.44.dev20260713+nightly
codegen_flags: <defaults>
</compile_context>

<pallas_src>
import functools

import jax
import jax.numpy as jnp
from jax import lax
from jax.experimental import pallas as pl
from jax.experimental.pallas import tpu as pltpu
from jax.experimental.pallas import tpu_sc as plsc

N_NODES = 10000
N_EDGES = 320000
D = 128

NC = 2
NS = 16
NW = NC * NS

B = 128
EPW = N_EDGES // NW
CH = 80
EPW_PAD = CH * B
CHB = 8
NP = 10112
RPT = NP // NS


@functools.cache
def _make_agg():
    mesh = plsc.VectorSubcoreMesh(core_axis_name="c", subcore_axis_name="s")

    @functools.partial(
        pl.kernel,
        out_type=(jax.ShapeDtypeStruct((NC, NP, D), jnp.float32),),
        mesh=mesh,
        scratch_types=[
            pltpu.VMEM((CHB, B), jnp.int32),
            pltpu.VMEM((CHB, B), jnp.int32),
            pltpu.VMEM((B, D), jnp.float32),
            pltpu.VMEM((B, D), jnp.float32),
            pltpu.VMEM_SHARED((NP, D), jnp.float32),
            pltpu.SemaphoreType.DMA,
            pltpu.SemaphoreType.DMA,
        ],
        name="sc_agg")
    def body(x_hbm, src_hbm, dst_hbm, zeros_hbm, agg_out,
             src_v, dst_v, buf0, buf1, acc, gs0, gs1):
        c = lax.axis_index("c")
        s = lax.axis_index("s")
        w = s * NC + c

        rows = pl.ds(s * RPT, RPT)
        pltpu.sync_copy(zeros_hbm.at[rows], acc.at[rows])
        plsc.subcore_barrier()

        def macro(m, _):
            pltpu.sync_copy(src_hbm.at[w, pl.ds(m * CHB, CHB)], src_v)
            pltpu.sync_copy(dst_hbm.at[w, pl.ds(m * CHB, CHB)], dst_v)

            def step(i, _):
                j0 = 2 * i
                j1 = j0 + 1
                cp0 = pltpu.async_copy(x_hbm.at[src_v.at[j0]], buf0, gs0)
                cp1 = pltpu.async_copy(x_hbm.at[src_v.at[j1]], buf1, gs1)
                cp0.wait()
                pltpu.sync_copy(buf0, acc.at[dst_v.at[j0]], add=True)
                cp1.wait()
                pltpu.sync_copy(buf1, acc.at[dst_v.at[j1]], add=True)
                return _

            lax.fori_loop(0, CHB // 2, step, None)
            return _

        lax.fori_loop(0, CH // CHB, macro, None)
        plsc.subcore_barrier()

        pltpu.sync_copy(acc.at[rows], agg_out.at[c, rows])

    return body


def _tc_inv_cnt_body(cnt_ref, out_ref):
    out_ref[...] = 1.0 / jnp.maximum(cnt_ref[...], 1.0)


def _tc_inv_cnt(cnt):
    return pl.pallas_call(
        _tc_inv_cnt_body,
        out_shape=jax.ShapeDtypeStruct((NP, 1), jnp.float32),
        name="tc_inv_cnt",
    )(cnt)


def _tc_layer_body(aggp_ref, inv_ref, x_ref, wl_ref, b_ref, wr_ref, out_ref,
                   *, last):
    agg = aggp_ref[0] + aggp_ref[1]
    mean = agg * inv_ref[...]
    h = (jnp.dot(mean, wl_ref[...], preferred_element_type=jnp.float32)
         + b_ref[...]
         + jnp.dot(x_ref[...], wr_ref[...], preferred_element_type=jnp.float32))
    h = jnp.maximum(h, 0.0)
    if last:
        m = jnp.max(h, axis=-1, keepdims=True)
        z = h - m
        h = z - jnp.log(jnp.sum(jnp.exp(z), axis=-1, keepdims=True))
    out_ref[...] = h


BN = 400


def _tc_layer(aggp, inv, x, wlT, b, wrT, *, last):
    grid = (N_NODES // BN,)
    return pl.pallas_call(
        functools.partial(_tc_layer_body, last=last),
        grid=grid,
        in_specs=[
            pl.BlockSpec((NC, BN, D), lambda i: (0, i, 0)),
            pl.BlockSpec((BN, 1), lambda i: (i, 0)),
            pl.BlockSpec((BN, D), lambda i: (i, 0)),
            pl.BlockSpec((D, D), lambda i: (0, 0)),
            pl.BlockSpec((1, D), lambda i: (0, 0)),
            pl.BlockSpec((D, D), lambda i: (0, 0)),
        ],
        out_specs=pl.BlockSpec((BN, D), lambda i: (i, 0)),
        out_shape=jax.ShapeDtypeStruct((N_NODES, D), jnp.float32),
        name=f"tc_sage_{'ls' if last else 'relu'}",
    )(aggp, inv, x, wlT, b, wrT)


def kernel(x, edge_index, W1_l, b1, W1_r, W2_l, b2, W2_r):
    src = edge_index[0].astype(jnp.int32).reshape(NW, EPW)
    dst = edge_index[1].astype(jnp.int32).reshape(NW, EPW)
    pad = EPW_PAD - EPW
    src3 = jnp.pad(src, ((0, 0), (0, pad))).reshape(NW, CH, B)
    dst3 = jnp.pad(dst, ((0, 0), (0, pad)),
                   constant_values=N_NODES).reshape(NW, CH, B)
    zeros = jnp.zeros((NP, D), jnp.float32)
    cnt = jax.ops.segment_sum(jnp.ones((N_EDGES,), jnp.float32),
                              edge_index[1].astype(jnp.int32),
                              num_segments=NP)
    inv = _tc_inv_cnt(cnt.reshape(NP, 1))

    (aggp1,) = _make_agg()(x, src3, dst3, zeros)
    h = _tc_layer(aggp1, inv, x, W1_l.T, b1.reshape(1, D), W1_r.T, last=False)
    (aggp2,) = _make_agg()(h, src3, dst3, zeros)
    y = _tc_layer(aggp2, inv, h, W2_l.T, b2.reshape(1, D), W2_r.T, last=True)
    return jnp.transpose(y)[None]

# --- scband reference (transcript-rebuilt; emitter-appended) ---
"""Pipeline reference for scband-sagemodel-ben1-27152783245337 (READ-ONLY COPY).

The authoritative reference and input builder live on the scoring server;
editing this copy changes nothing except your own understanding.
"""

import jax, jax.numpy as jnp
import numpy as np

N_NODES = 10000
N_EDGES = 320000
IN_DIM = 128
HID_DIM = 128
OUT_DIM = 128


def sage_conv(x, edge_index, W_l, b_l, W_r):
    # PyG SAGEConv with mean aggregation:
    #   out = lin_l(mean_{j in N(i)} x_j) + lin_r(x_i)
    src = edge_index[0]
    dst = edge_index[1]
    msg = jnp.take(x, src, axis=0)                               # gather [E, d]
    agg = jax.ops.segment_sum(msg, dst, num_segments=N_NODES)    # scatter-add [N, d]
    cnt = jax.ops.segment_sum(jnp.ones((msg.shape[0],), dtype=x.dtype), dst, num_segments=N_NODES)
    mean = agg / jnp.clip(cnt, 1.0)[:, None]
    return mean @ W_l.T + b_l + x @ W_r.T


def setup_inputs(seed: int = 0) -> dict:
    key = jax.random.key(seed)
    ks = jax.random.split(key, 8)
    x = jax.random.normal(ks[0], (N_NODES, IN_DIM), dtype=jnp.float32)
    edge_index = jax.random.randint(ks[1], (2, N_EDGES), 0, N_NODES, dtype=jnp.int64)
    s1 = 1.0 / np.sqrt(IN_DIM)
    s2 = 1.0 / np.sqrt(HID_DIM)
    W1_l = jax.random.uniform(ks[2], (HID_DIM, IN_DIM), jnp.float32, -s1, s1)
    b1 = jax.random.uniform(ks[3], (HID_DIM,), jnp.float32, -s1, s1)
    W1_r = jax.random.uniform(ks[4], (HID_DIM, IN_DIM), jnp.float32, -s1, s1)
    W2_l = jax.random.uniform(ks[5], (OUT_DIM, HID_DIM), jnp.float32, -s2, s2)
    b2 = jax.random.uniform(ks[6], (OUT_DIM,), jnp.float32, -s2, s2)
    W2_r = jax.random.uniform(ks[7], (OUT_DIM, HID_DIM), jnp.float32, -s2, s2)
    return {"x": x, "edge_index": edge_index, "W1_l": W1_l, "b1": b1, "W1_r": W1_r,
            "W2_l": W2_l, "b2": b2, "W2_r": W2_r}


def reference(x, edge_index, W1_l, b1, W1_r, W2_l, b2, W2_r):
    h = sage_conv(x, edge_index, W1_l, b1, W1_r)
    h = jax.nn.relu(h)
    h = sage_conv(h, edge_index, W2_l, b2, W2_r)
    h = jax.nn.relu(h)
    # layer == 2, dropout == False -> skip conv3 / dropout
    h = h[None, :, :]                 # [1, N, out_dim]
    h = jnp.transpose(h, (0, 2, 1))   # [1, out_dim, N]
    return jax.nn.log_softmax(h, axis=1)

if __name__ == "__main__":
    import jax
    _d = setup_inputs()
    print(jax.jit(kernel)(*tuple(_d.values())))

</pallas_src>

<mosaic_0001>
#map = affine_map<(d0, d1) -> (0, 0)>
#map1 = affine_map<(d0, d1) -> (0, 0, 0)>
module attributes {stable_mosaic.version = 14 : i64} {
  func.func @sc_agg(%arg0: i32, %arg1: i32, %arg2: memref<10000x128xf32, #tpu.memory_space<hbm>>, %arg3: memref<32x80x128xi32, #tpu.memory_space<hbm>>, %arg4: memref<32x80x128xi32, #tpu.memory_space<hbm>>, %arg5: memref<10112x128xf32, #tpu.memory_space<hbm>>, %arg6: memref<2x10112x128xf32, #tpu.memory_space<hbm>>, %arg7: memref<8x128xi32, #tpu.memory_space<vmem>>, %arg8: memref<8x128xi32, #tpu.memory_space<vmem>>, %arg9: memref<128x128xf32, #tpu.memory_space<vmem>>, %arg10: memref<128x128xf32, #tpu.memory_space<vmem>>, %arg11: memref<10112x128xf32, #tpu.memory_space<vmem_shared>>, %arg12: memref<!tpu.dma_semaphore, #tpu.memory_space<semaphore_mem>>, %arg13: memref<!tpu.dma_semaphore, #tpu.memory_space<semaphore_mem>>) attributes {dimension_semantics = [#tpu.dimension_semantics<core_parallel>, #tpu.dimension_semantics<subcore_parallel>], iteration_bounds = array<i64: 2, 16>, scalar_prefetch = 0 : i64, scratch_operands = 7 : i64, tpu.core_type = #tpu.core_type<sc_vector_subcore>, window_params = [{transform_indices = #map}, {transform_indices = #map1}, {transform_indices = #map1}, {transform_indices = #map}, {transform_indices = #map1}]} {
    %mul3A = arith.constant 2 : i32
    %mul3A_0 = arith.muli %arg1, %mul3A : i32
    %add3A = arith.addi %mul3A_0, %arg0 : i32
    %mul3A_1 = arith.constant 632 : i32
    %mul3A_2 = arith.muli %arg1, %mul3A_1 : i32
    "tpu.region"() ({
      %run_scoped3A = tpu.sem_alloc : memref<!tpu.dma_semaphore, #tpu.memory_space<semaphore_mem>>
      %dma_start3A = arith.constant 0 : i32
      %dma_start3A_8 = tpu.memref_slice %arg11[%mul3A_2, %dma_start3A] : memref<10112x128xf32, #tpu.memory_space<vmem_shared>> -> memref<632x128xf32, #tpu.memory_space<vmem_shared>>
      %dma_start3A_9 = arith.constant 0 : i32
      %dma_start3A_10 = tpu.memref_slice %arg5[%mul3A_2, %dma_start3A_9] : memref<10112x128xf32, #tpu.memory_space<hbm>> -> memref<632x128xf32, #tpu.memory_space<hbm>>
      tpu.enqueue_dma source(%dma_start3A_10 : memref<632x128xf32, #tpu.memory_space<hbm>>) target(%dma_start3A_8 : memref<632x128xf32, #tpu.memory_space<vmem_shared>>) target_semaphore(%run_scoped3A : memref<!tpu.dma_semaphore, #tpu.memory_space<semaphore_mem>>)
      %dma_wait3A = arith.constant 0 : i32
      %dma_wait3A_11 = tpu.memref_slice %arg11[%mul3A_2, %dma_wait3A] : memref<10112x128xf32, #tpu.memory_space<vmem_shared>> -> memref<632x128xf32, #tpu.memory_space<vmem_shared>>
      %dma_wait3A_12 = arith.constant 0 : i32
      %dma_wait3A_13 = tpu.memref_slice %arg5[%mul3A_2, %dma_wait3A_12] : memref<10112x128xf32, #tpu.memory_space<hbm>> -> memref<632x128xf32, #tpu.memory_space<hbm>>
      tpu.wait_dma2 semaphore(%run_scoped3A : memref<!tpu.dma_semaphore, #tpu.memory_space<semaphore_mem>>) src(%dma_wait3A_13 : memref<632x128xf32, #tpu.memory_space<hbm>>) dst(%dma_wait3A_11 : memref<632x128xf32, #tpu.memory_space<vmem_shared>>)
      tpu.yield
    }) : () -> ()
    %barrier3A = arith.constant 0 : index
    tpu.barrier barrier_id(%barrier3A)
    %scan3A = arith.constant 0 : i32
    %scan3A_3 = arith.constant 10 : i32
    %scan3A_4 = arith.addi %scan3A, %scan3A_3 : i32
    %scan3A_5 = arith.constant 1 : i32
    scf.for %scan3A_8 = %scan3A to %scan3A_4 step %scan3A_5  : i32 {
      %mul3A_9 = arith.constant 8 : i32
      %mul3A_10 = arith.muli %scan3A_8, %mul3A_9 : i32
      "tpu.region"() ({
        %run_scoped3A = tpu.sem_alloc : memref<!tpu.dma_semaphore, #tpu.memory_space<semaphore_mem>>
        %dma_start3A = arith.constant 0 : i32
        %dma_start3A_18 = tpu.memref_slice %arg3[%add3A, %mul3A_10, %dma_start3A] : memref<32x80x128xi32, #tpu.memory_space<hbm>> -> memref<1x8x128xi32, #tpu.memory_space<hbm>>
        %dma_start3A_19 = tpu.memref_squeeze %dma_start3A_18 : memref<1x8x128xi32, #tpu.memory_space<hbm>> -> memref<8x128xi32, #tpu.memory_space<hbm>>
        %dma_start3A_20 = arith.constant 0 : i32
        %dma_start3A_21 = tpu.memref_slice %arg3[%add3A, %mul3A_10, %dma_start3A_20] : memref<32x80x128xi32, #tpu.memory_space<hbm>> -> memref<1x8x128xi32, #tpu.memory_space<hbm>>
        %dma_start3A_22 = tpu.memref_squeeze %dma_start3A_21 : memref<1x8x128xi32, #tpu.memory_space<hbm>> -> memref<8x128xi32, #tpu.memory_space<hbm>>
        tpu.enqueue_dma source(%dma_start3A_22 : memref<8x128xi32, #tpu.memory_space<hbm>>) target(%arg7 : memref<8x128xi32, #tpu.memory_space<vmem>>) target_semaphore(%run_scoped3A : memref<!tpu.dma_semaphore, #tpu.memory_space<semaphore_mem>>)
        %dma_wait3A = arith.constant 0 : i32
        %dma_wait3A_23 = tpu.memref_slice %arg3[%add3A, %mul3A_10, %dma_wait3A] : memref<32x80x128xi32, #tpu.memory_space<hbm>> -> memref<1x8x128xi32, #tpu.memory_space<hbm>>
        %dma_wait3A_24 = tpu.memref_squeeze %dma_wait3A_23 : memref<1x8x128xi32, #tpu.memory_space<hbm>> -> memref<8x128xi32, #tpu.memory_space<hbm>>
        %dma_wait3A_25 = arith.constant 0 : i32
        %dma_wait3A_26 = tpu.memref_slice %arg3[%add3A, %mul3A_10, %dma_wait3A_25] : memref<32x80x128xi32, #tpu.memory_space<hbm>> -> memref<1x8x128xi32, #tpu.memory_space<hbm>>
        %dma_wait3A_27 = tpu.memref_squeeze %dma_wait3A_26 : memref<1x8x128xi32, #tpu.memory_space<hbm>> -> memref<8x128xi32, #tpu.memory_space<hbm>>
        tpu.wait_dma2 semaphore(%run_scoped3A : memref<!tpu.dma_semaphore, #tpu.memory_space<semaphore_mem>>) src(%dma_wait3A_27 : memref<8x128xi32, #tpu.memory_space<hbm>>) dst(%arg7 : memref<8x128xi32, #tpu.memory_space<vmem>>)
        tpu.yield
      }) : () -> ()
      %mul3A_11 = arith.constant 8 : i32
      %mul3A_12 = arith.muli %scan3A_8, %mul3A_11 : i32
      "tpu.region"() ({
        %run_scoped3A = tpu.sem_alloc : memref<!tpu.dma_semaphore, #tpu.memory_space<semaphore_mem>>
        %dma_start3A = arith.constant 0 : i32
        %dma_start3A_18 = tpu.memref_slice %arg4[%add3A, %mul3A_12, %dma_start3A] : memref<32x80x128xi32, #tpu.memory_space<hbm>> -> memref<1x8x128xi32, #tpu.memory_space<hbm>>
        %dma_start3A_19 = tpu.memref_squeeze %dma_start3A_18 : memref<1x8x128xi32, #tpu.memory_space<hbm>> -> memref<8x128xi32, #tpu.memory_space<hbm>>
        %dma_start3A_20 = arith.constant 0 : i32
        %dma_start3A_21 = tpu.memref_slice %arg4[%add3A, %mul3A_12, %dma_start3A_20] : memref<32x80x128xi32, #tpu.memory_space<hbm>> -> memref<1x8x128xi32, #tpu.memory_space<hbm>>
        %dma_start3A_22 = tpu.memref_squeeze %dma_start3A_21 : memref<1x8x128xi32, #tpu.memory_space<hbm>> -> memref<8x128xi32, #tpu.memory_space<hbm>>
        tpu.enqueue_dma source(%dma_start3A_22 : memref<8x128xi32, #tpu.memory_space<hbm>>) target(%arg8 : memref<8x128xi32, #tpu.memory_space<vmem>>) target_semaphore(%run_scoped3A : memref<!tpu.dma_semaphore, #tpu.memory_space<semaphore_mem>>)
        %dma_wait3A = arith.constant 0 : i32
        %dma_wait3A_23 = tpu.memref_slice %arg4[%add3A, %mul3A_12, %dma_wait3A] : memref<32x80x128xi32, #tpu.memory_space<hbm>> -> memref<1x8x128xi32, #tpu.memory_space<hbm>>
        %dma_wait3A_24 = tpu.memref_squeeze %dma_wait3A_23 : memref<1x8x128xi32, #tpu.memory_space<hbm>> -> memref<8x128xi32, #tpu.memory_space<hbm>>
        %dma_wait3A_25 = arith.constant 0 : i32
        %dma_wait3A_26 = tpu.memref_slice %arg4[%add3A, %mul3A_12, %dma_wait3A_25] : memref<32x80x128xi32, #tpu.memory_space<hbm>> -> memref<1x8x128xi32, #tpu.memory_space<hbm>>
        %dma_wait3A_27 = tpu.memref_squeeze %dma_wait3A_26 : memref<1x8x128xi32, #tpu.memory_space<hbm>> -> memref<8x128xi32, #tpu.memory_space<hbm>>
        tpu.wait_dma2 semaphore(%run_scoped3A : memref<!tpu.dma_semaphore, #tpu.memory_space<semaphore_mem>>) src(%dma_wait3A_27 : memref<8x128xi32, #tpu.memory_space<hbm>>) dst(%arg8 : memref<8x128xi32, #tpu.memory_space<vmem>>)
        tpu.yield
      }) : () -> ()
      %scan3A_13 = arith.constant 0 : i32
      %scan3A_14 = arith.constant 4 : i32
      %scan3A_15 = arith.addi %scan3A_13, %scan3A_14 : i32
      %scan3A_16 = arith.constant 1 : i32
      scf.for %scan3A_18 = %scan3A_13 to %scan3A_15 step %scan3A_16  : i32 {
        %mul3A_19 = arith.constant 2 : i32
        %mul3A_20 = arith.muli %mul3A_19, %scan3A_18 : i32
        %add3A_21 = arith.constant 1 : i32
        %add3A_22 = arith.addi %mul3A_20, %add3A_21 : i32
        %dma_start3A = arith.constant 0 : i32
        %dma_start3A_23 = tpu.memref_slice %arg7[%mul3A_20, %dma_start3A] : memref<8x128xi32, #tpu.memory_space<vmem>> -> memref<1x128xi32, #tpu.memory_space<vmem>>
        %dma_start3A_24 = tpu.memref_squeeze %dma_start3A_23 : memref<1x128xi32, #tpu.memory_space<vmem>> -> memref<128xi32, #tpu.memory_space<vmem>>
        %dma_start3A_25 = arith.constant 0 : i32
        %dma_start3A_26 = arith.constant 0 : i32
        %dma_start3A_27 = tpu.memref_slice %arg2[%dma_start3A_25, %dma_start3A_26] : memref<10000x128xf32, #tpu.memory_space<hbm>> -> memref<10000x128xf32, #tpu.memory_space<hbm>>
        tpu.enqueue_indirect_dma source(%dma_start3A_27 : memref<10000x128xf32, #tpu.memory_space<hbm>>) target(%arg9 : memref<128x128xf32, #tpu.memory_space<vmem>>) offsets(%dma_start3A_24 : memref<128xi32, #tpu.memory_space<vmem>>) semaphore(%arg12 : memref<!tpu.dma_semaphore, #tpu.memory_space<semaphore_mem>>)
        %dma_start3A_28 = arith.constant 0 : i32
        %dma_start3A_29 = tpu.memref_slice %arg7[%add3A_22, %dma_start3A_28] : memref<8x128xi32, #tpu.memory_space<vmem>> -> memref<1x128xi32, #tpu.memory_space<vmem>>
        %dma_start3A_30 = tpu.memref_squeeze %dma_start3A_29 : memref<1x128xi32, #tpu.memory_space<vmem>> -> memref<128xi32, #tpu.memory_space<vmem>>
        %dma_start3A_31 = arith.constant 0 : i32
        %dma_start3A_32 = arith.constant 0 : i32
        %dma_start3A_33 = tpu.memref_slice %arg2[%dma_start3A_31, %dma_start3A_32] : memref<10000x128xf32, #tpu.memory_space<hbm>> -> memref<10000x128xf32, #tpu.memory_space<hbm>>
        tpu.enqueue_indirect_dma source(%dma_start3A_33 : memref<10000x128xf32, #tpu.memory_space<hbm>>) target(%arg10 : memref<128x128xf32, #tpu.memory_space<vmem>>) offsets(%dma_start3A_30 : memref<128xi32, #tpu.memory_space<vmem>>) semaphore(%arg13 : memref<!tpu.dma_semaphore, #tpu.memory_space<semaphore_mem>>)
        %dma_wait3A = arith.constant 0 : i32
        %dma_wait3A_34 = tpu.memref_slice %arg7[%mul3A_20, %dma_wait3A] : memref<8x128xi32, #tpu.memory_space<vmem>> -> memref<1x128xi32, #tpu.memory_space<vmem>>
        %dma_wait3A_35 = tpu.memref_squeeze %dma_wait3A_34 : memref<1x128xi32, #tpu.memory_space<vmem>> -> memref<128xi32, #tpu.memory_space<vmem>>
        %dma_wait3A_36 = arith.constant 0 : i32
        %dma_wait3A_37 = arith.constant 0 : i32
        %dma_wait3A_38 = tpu.memref_slice %arg2[%dma_wait3A_36, %dma_wait3A_37] : memref<10000x128xf32, #tpu.memory_space<hbm>> -> memref<10000x128xf32, #tpu.memory_space<hbm>>
        tpu.wait_indirect_dma semaphore(%arg12 : memref<!tpu.dma_semaphore, #tpu.memory_space<semaphore_mem>>) src(%dma_wait3A_38 : memref<10000x128xf32, #tpu.memory_space<hbm>>) dst(%arg9 : memref<128x128xf32, #tpu.memory_space<vmem>>)
        "tpu.region"() ({
          %run_scoped3A = tpu.sem_alloc : memref<!tpu.dma_semaphore, #tpu.memory_space<semaphore_mem>>
          %dma_start3A_45 = arith.constant 0 : i32
          %dma_start3A_46 = tpu.memref_slice %arg8[%mul3A_20, %dma_start3A_45] : memref<8x128xi32, #tpu.memory_space<vmem>> -> memref<1x128xi32, #tpu.memory_space<vmem>>
          %dma_start3A_47 = tpu.memref_squeeze %dma_start3A_46 : memref<1x128xi32, #tpu.memory_space<vmem>> -> memref<128xi32, #tpu.memory_space<vmem>>
          %dma_start3A_48 = arith.constant 0 : i32
          %dma_start3A_49 = arith.constant 0 : i32
          %dma_start3A_50 = tpu.memref_slice %arg11[%dma_start3A_48, %dma_start3A_49] : memref<10112x128xf32, #tpu.memory_space<vmem_shared>> -> memref<10112x128xf32, #tpu.memory_space<vmem_shared>>
          tpu.enqueue_indirect_dma source(%arg9 : memref<128x128xf32, #tpu.memory_space<vmem>>) target(%dma_start3A_50 : memref<10112x128xf32, #tpu.memory_space<vmem_shared>>) offsets(%dma_start3A_47 : memref<128xi32, #tpu.memory_space<vmem>>) semaphore(%run_scoped3A : memref<!tpu.dma_semaphore, #tpu.memory_space<semaphore_mem>>) {add = true}
          %dma_wait3A_51 = arith.constant 0 : i32
          %dma_wait3A_52 = tpu.memref_slice %arg8[%mul3A_20, %dma_wait3A_51] : memref<8x128xi32, #tpu.memory_space<vmem>> -> memref<1x128xi32, #tpu.memory_space<vmem>>
          %dma_wait3A_53 = tpu.memref_squeeze %dma_wait3A_52 : memref<1x128xi32, #tpu.memory_space<vmem>> -> memref<128xi32, #tpu.memory_space<vmem>>
          %dma_wait3A_54 = arith.constant 0 : i32
          %dma_wait3A_55 = arith.constant 0 : i32
          %dma_wait3A_56 = tpu.memref_slice %arg11[%dma_wait3A_54, %dma_wait3A_55] : memref<10112x128xf32, #tpu.memory_space<vmem_shared>> -> memref<10112x128xf32, #tpu.memory_space<vmem_shared>>
          tpu.wait_indirect_dma semaphore(%run_scoped3A : memref<!tpu.dma_semaphore, #tpu.memory_space<semaphore_mem>>) src(%arg9 : memref<128x128xf32, #tpu.memory_space<vmem>>) dst(%dma_wait3A_56 : memref<10112x128xf32, #tpu.memory_space<vmem_shared>>)
          tpu.yield
        }) : () -> ()
        %dma_wait3A_39 = arith.constant 0 : i32
        %dma_wait3A_40 = tpu.memref_slice %arg7[%add3A_22, %dma_wait3A_39] : memref<8x128xi32, #tpu.memory_space<vmem>> -> memref<1x128xi32, #tpu.memory_space<vmem>>
        %dma_wait3A_41 = tpu.memref_squeeze %dma_wait3A_40 : memref<1x128xi32, #tpu.memory_space<vmem>> -> memref<128xi32, #tpu.memory_space<vmem>>
        %dma_wait3A_42 = arith.constant 0 : i32
        %dma_wait3A_43 = arith.constant 0 : i32
        %dma_wait3A_44 = tpu.memref_slice %arg2[%dma_wait3A_42, %dma_wait3A_43] : memref<10000x128xf32, #tpu.memory_space<hbm>> -> memref<10000x128xf32, #tpu.memory_space<hbm>>
        tpu.wait_indirect_dma semaphore(%arg13 : memref<!tpu.dma_semaphore, #tpu.memory_space<semaphore_mem>>) src(%dma_wait3A_44 : memref<10000x128xf32, #tpu.memory_space<hbm>>) dst(%arg10 : memref<128x128xf32, #tpu.memory_space<vmem>>)
        "tpu.region"() ({
          %run_scoped3A = tpu.sem_alloc : memref<!tpu.dma_semaphore, #tpu.memory_space<semaphore_mem>>
          %dma_start3A_45 = arith.constant 0 : i32
          %dma_start3A_46 = tpu.memref_slice %arg8[%add3A_22, %dma_start3A_45] : memref<8x128xi32, #tpu.memory_space<vmem>> -> memref<1x128xi32, #tpu.memory_space<vmem>>
          %dma_start3A_47 = tpu.memref_squeeze %dma_start3A_46 : memref<1x128xi32, #tpu.memory_space<vmem>> -> memref<128xi32, #tpu.memory_space<vmem>>
          %dma_start3A_48 = arith.constant 0 : i32
          %dma_start3A_49 = arith.constant 0 : i32
          %dma_start3A_50 = tpu.memref_slice %arg11[%dma_start3A_48, %dma_start3A_49] : memref<10112x128xf32, #tpu.memory_space<vmem_shared>> -> memref<10112x128xf32, #tpu.memory_space<vmem_shared>>
          tpu.enqueue_indirect_dma source(%arg10 : memref<128x128xf32, #tpu.memory_space<vmem>>) target(%dma_start3A_50 : memref<10112x128xf32, #tpu.memory_space<vmem_shared>>) offsets(%dma_start3A_47 : memref<128xi32, #tpu.memory_space<vmem>>) semaphore(%run_scoped3A : memref<!tpu.dma_semaphore, #tpu.memory_space<semaphore_mem>>) {add = true}
          %dma_wait3A_51 = arith.constant 0 : i32
          %dma_wait3A_52 = tpu.memref_slice %arg8[%add3A_22, %dma_wait3A_51] : memref<8x128xi32, #tpu.memory_space<vmem>> -> memref<1x128xi32, #tpu.memory_space<vmem>>
          %dma_wait3A_53 = tpu.memref_squeeze %dma_wait3A_52 : memref<1x128xi32, #tpu.memory_space<vmem>> -> memref<128xi32, #tpu.memory_space<vmem>>
          %dma_wait3A_54 = arith.constant 0 : i32
          %dma_wait3A_55 = arith.constant 0 : i32
          %dma_wait3A_56 = tpu.memref_slice %arg11[%dma_wait3A_54, %dma_wait3A_55] : memref<10112x128xf32, #tpu.memory_space<vmem_shared>> -> memref<10112x128xf32, #tpu.memory_space<vmem_shared>>
          tpu.wait_indirect_dma semaphore(%run_scoped3A : memref<!tpu.dma_semaphore, #tpu.memory_space<semaphore_mem>>) src(%arg10 : memref<128x128xf32, #tpu.memory_space<vmem>>) dst(%dma_wait3A_56 : memref<10112x128xf32, #tpu.memory_space<vmem_shared>>)
          tpu.yield
        }) : () -> ()
      }
      %scan3A_17 = arith.constant 4 : i32
    }
    %scan3A_6 = arith.constant 10 : i32
    %barrier3A_7 = arith.constant 0 : index
    tpu.barrier barrier_id(%barrier3A_7)
    "tpu.region"() ({
      %run_scoped3A = tpu.sem_alloc : memref<!tpu.dma_semaphore, #tpu.memory_space<semaphore_mem>>
      %dma_start3A = arith.constant 0 : i32
      %dma_start3A_8 = tpu.memref_slice %arg6[%arg0, %mul3A_2, %dma_start3A] : memref<2x10112x128xf32, #tpu.memory_space<hbm>> -> memref<1x632x128xf32, #tpu.memory_space<hbm>>
      %dma_start3A_9 = tpu.memref_squeeze %dma_start3A_8 : memref<1x632x128xf32, #tpu.memory_space<hbm>> -> memref<632x128xf32, #tpu.memory_space<hbm>>
      %dma_start3A_10 = arith.constant 0 : i32
      %dma_start3A_11 = tpu.memref_slice %arg11[%mul3A_2, %dma_start3A_10] : memref<10112x128xf32, #tpu.memory_space<vmem_shared>> -> memref<632x128xf32, #tpu.memory_space<vmem_shared>>
      tpu.enqueue_dma source(%dma_start3A_11 : memref<632x128xf32, #tpu.memory_space<vmem_shared>>) target(%dma_start3A_9 : memref<632x128xf32, #tpu.memory_space<hbm>>) target_semaphore(%run_scoped3A : memref<!tpu.dma_semaphore, #tpu.memory_space<semaphore_mem>>)
      %dma_wait3A = arith.constant 0 : i32
      %dma_wait3A_12 = tpu.memref_slice %arg6[%arg0, %mul3A_2, %dma_wait3A] : memref<2x10112x128xf32, #tpu.memory_space<hbm>> -> memref<1x632x128xf32, #tpu.memory_space<hbm>>
      %dma_wait3A_13 = tpu.memref_squeeze %dma_wait3A_12 : memref<1x632x128xf32, #tpu.memory_space<hbm>> -> memref<632x128xf32, #tpu.memory_space<hbm>>
      %dma_wait3A_14 = arith.constant 0 : i32
      %dma_wait3A_15 = tpu.memref_slice %arg11[%mul3A_2, %dma_wait3A_14] : memref<10112x128xf32, #tpu.memory_space<vmem_shared>> -> memref<632x128xf32, #tpu.memory_space<vmem_shared>>
      tpu.wait_dma2 semaphore(%run_scoped3A : memref<!tpu.dma_semaphore, #tpu.memory_space<semaphore_mem>>) src(%dma_wait3A_15 : memref<632x128xf32, #tpu.memory_space<vmem_shared>>) dst(%dma_wait3A_13 : memref<632x128xf32, #tpu.memory_space<hbm>>)
      tpu.yield
    }) : () -> ()
    return
  }
}

#map = affine_map<(d0, d1) -> (0, 0)>
#map1 = affine_map<(d0, d1) -> (0, 0, 0)>
module attributes {stable_mosaic.version = 14 : i64} {
  func.func @sc_agg(%arg0: i32, %arg1: i32, %arg2: memref<10000x128xf32, #tpu.memory_space<hbm>>, %arg3: memref<32x80x128xi32, #tpu.memory_space<hbm>>, %arg4: memref<32x80x128xi32, #tpu.memory_space<hbm>>, %arg5: memref<10112x128xf32, #tpu.memory_space<hbm>>, %arg6: memref<2x10112x128xf32, #tpu.memory_space<hbm>>, %arg7: memref<8x128xi32, #tpu.memory_space<vmem>>, %arg8: memref<8x128xi32, #tpu.memory_space<vmem>>, %arg9: memref<128x128xf32, #tpu.memory_space<vmem>>, %arg10: memref<128x128xf32, #tpu.memory_space<vmem>>, %arg11: memref<10112x128xf32, #tpu.memory_space<vmem_shared>>, %arg12: memref<!tpu.dma_semaphore, #tpu.memory_space<semaphore_mem>>, %arg13: memref<!tpu.dma_semaphore, #tpu.memory_space<semaphore_mem>>) attributes {dimension_semantics = [#tpu.dimension_semantics<core_parallel>, #tpu.dimension_semantics<subcore_parallel>], iteration_bounds = array<i64: 2, 16>, scalar_prefetch = 0 : i64, scratch_operands = 7 : i64, tpu.core_type = #tpu.core_type<sc_vector_subcore>, window_params = [{transform_indices = #map}, {transform_indices = #map1}, {transform_indices = #map1}, {transform_indices = #map}, {transform_indices = #map1}]} {
    %mul3A = arith.constant 2 : i32
    %mul3A_0 = arith.muli %arg1, %mul3A : i32
    %add3A = arith.addi %mul3A_0, %arg0 : i32
    %mul3A_1 = arith.constant 632 : i32
    %mul3A_2 = arith.muli %arg1, %mul3A_1 : i32
    "tpu.region"() ({
      %run_scoped3A = tpu.sem_alloc : memref<!tpu.dma_semaphore, #tpu.memory_space<semaphore_mem>>
      %dma_start3A = arith.constant 0 : i32
      %dma_start3A_8 = tpu.memref_slice %arg11[%mul3A_2, %dma_start3A] : memref<10112x128xf32, #tpu.memory_space<vmem_shared>> -> memref<632x128xf32, #tpu.memory_space<vmem_shared>>
      %dma_start3A_9 = arith.constant 0 : i32
      %dma_start3A_10 = tpu.memref_slice %arg5[%mul3A_2, %dma_start3A_9] : memref<10112x128xf32, #tpu.memory_space<hbm>> -> memref<632x128xf32, #tpu.memory_space<hbm>>
      tpu.enqueue_dma source(%dma_start3A_10 : memref<632x128xf32, #tpu.memory_space<hbm>>) target(%dma_start3A_8 : memref<632x128xf32, #tpu.memory_space<vmem_shared>>) target_semaphore(%run_scoped3A : memref<!tpu.dma_semaphore, #tpu.memory_space<semaphore_mem>>)
      %dma_wait3A = arith.constant 0 : i32
      %dma_wait3A_11 = tpu.memref_slice %arg11[%mul3A_2, %dma_wait3A] : memref<10112x128xf32, #tpu.memory_space<vmem_shared>> -> memref<632x128xf32, #tpu.memory_space<vmem_shared>>
      %dma_wait3A_12 = arith.constant 0 : i32
      %dma_wait3A_13 = tpu.memref_slice %arg5[%mul3A_2, %dma_wait3A_12] : memref<10112x128xf32, #tpu.memory_space<hbm>> -> memref<632x128xf32, #tpu.memory_space<hbm>>
      tpu.wait_dma2 semaphore(%run_scoped3A : memref<!tpu.dma_semaphore, #tpu.memory_space<semaphore_mem>>) src(%dma_wait3A_13 : memref<632x128xf32, #tpu.memory_space<hbm>>) dst(%dma_wait3A_11 : memref<632x128xf32, #tpu.memory_space<vmem_shared>>)
      tpu.yield
    }) : () -> ()
    %barrier3A = arith.constant 0 : index
    tpu.barrier barrier_id(%barrier3A)
    %scan3A = arith.constant 0 : i32
    %scan3A_3 = arith.constant 10 : i32
    %scan3A_4 = arith.addi %scan3A, %scan3A_3 : i32
    %scan3A_5 = arith.constant 1 : i32
    scf.for %scan3A_8 = %scan3A to %scan3A_4 step %scan3A_5  : i32 {
      %mul3A_9 = arith.constant 8 : i32
      %mul3A_10 = arith.muli %scan3A_8, %mul3A_9 : i32
      "tpu.region"() ({
        %run_scoped3A = tpu.sem_alloc : memref<!tpu.dma_semaphore, #tpu.memory_space<semaphore_mem>>
        %dma_start3A = arith.constant 0 : i32
        %dma_start3A_18 = tpu.memref_slice %arg3[%add3A, %mul3A_10, %dma_start3A] : memref<32x80x128xi32, #tpu.memory_space<hbm>> -> memref<1x8x128xi32, #tpu.memory_space<hbm>>
        %dma_start3A_19 = tpu.memref_squeeze %dma_start3A_18 : memref<1x8x128xi32, #tpu.memory_space<hbm>> -> memref<8x128xi32, #tpu.memory_space<hbm>>
        %dma_start3A_20 = arith.constant 0 : i32
        %dma_start3A_21 = tpu.memref_slice %arg3[%add3A, %mul3A_10, %dma_start3A_20] : memref<32x80x128xi32, #tpu.memory_space<hbm>> -> memref<1x8x128xi32, #tpu.memory_space<hbm>>
        %dma_start3A_22 = tpu.memref_squeeze %dma_start3A_21 : memref<1x8x128xi32, #tpu.memory_space<hbm>> -> memref<8x128xi32, #tpu.memory_space<hbm>>
        tpu.enqueue_dma source(%dma_start3A_22 : memref<8x128xi32, #tpu.memory_space<hbm>>) target(%arg7 : memref<8x128xi32, #tpu.memory_space<vmem>>) target_semaphore(%run_scoped3A : memref<!tpu.dma_semaphore, #tpu.memory_space<semaphore_mem>>)
        %dma_wait3A = arith.constant 0 : i32
        %dma_wait3A_23 = tpu.memref_slice %arg3[%add3A, %mul3A_10, %dma_wait3A] : memref<32x80x128xi32, #tpu.memory_space<hbm>> -> memref<1x8x128xi32, #tpu.memory_space<hbm>>
        %dma_wait3A_24 = tpu.memref_squeeze %dma_wait3A_23 : memref<1x8x128xi32, #tpu.memory_space<hbm>> -> memref<8x128xi32, #tpu.memory_space<hbm>>
        %dma_wait3A_25 = arith.constant 0 : i32
        %dma_wait3A_26 = tpu.memref_slice %arg3[%add3A, %mul3A_10, %dma_wait3A_25] : memref<32x80x128xi32, #tpu.memory_space<hbm>> -> memref<1x8x128xi32, #tpu.memory_space<hbm>>
        %dma_wait3A_27 = tpu.memref_squeeze %dma_wait3A_26 : memref<1x8x128xi32, #tpu.memory_space<hbm>> -> memref<8x128xi32, #tpu.memory_space<hbm>>
        tpu.wait_dma2 semaphore(%run_scoped3A : memref<!tpu.dma_semaphore, #tpu.memory_space<semaphore_mem>>) src(%dma_wait3A_27 : memref<8x128xi32, #tpu.memory_space<hbm>>) dst(%arg7 : memref<8x128xi32, #tpu.memory_space<vmem>>)
        tpu.yield
      }) : () -> ()
      %mul3A_11 = arith.constant 8 : i32
      %mul3A_12 = arith.muli %scan3A_8, %mul3A_11 : i32
      "tpu.region"() ({
        %run_scoped3A = tpu.sem_alloc : memref<!tpu.dma_semaphore, #tpu.memory_space<semaphore_mem>>
        %dma_start3A = arith.constant 0 : i32
        %dma_start3A_18 = tpu.memref_slice %arg4[%add3A, %mul3A_12, %dma_start3A] : memref<32x80x128xi32, #tpu.memory_space<hbm>> -> memref<1x8x128xi32, #tpu.memory_space<hbm>>
        %dma_start3A_19 = tpu.memref_squeeze %dma_start3A_18 : memref<1x8x128xi32, #tpu.memory_space<hbm>> -> memref<8x128xi32, #tpu.memory_space<hbm>>
        %dma_start3A_20 = arith.constant 0 : i32
        %dma_start3A_21 = tpu.memref_slice %arg4[%add3A, %mul3A_12, %dma_start3A_20] : memref<32x80x128xi32, #tpu.memory_space<hbm>> -> memref<1x8x128xi32, #tpu.memory_space<hbm>>
        %dma_start3A_22 = tpu.memref_squeeze %dma_start3A_21 : memref<1x8x128xi32, #tpu.memory_space<hbm>> -> memref<8x128xi32, #tpu.memory_space<hbm>>
        tpu.enqueue_dma source(%dma_start3A_22 : memref<8x128xi32, #tpu.memory_space<hbm>>) target(%arg8 : memref<8x128xi32, #tpu.memory_space<vmem>>) target_semaphore(%run_scoped3A : memref<!tpu.dma_semaphore, #tpu.memory_space<semaphore_mem>>)
        %dma_wait3A = arith.constant 0 : i32
        %dma_wait3A_23 = tpu.memref_slice %arg4[%add3A, %mul3A_12, %dma_wait3A] : memref<32x80x128xi32, #tpu.memory_space<hbm>> -> memref<1x8x128xi32, #tpu.memory_space<hbm>>
        %dma_wait3A_24 = tpu.memref_squeeze %dma_wait3A_23 : memref<1x8x128xi32, #tpu.memory_space<hbm>> -> memref<8x128xi32, #tpu.memory_space<hbm>>
        %dma_wait3A_25 = arith.constant 0 : i32
        %dma_wait3A_26 = tpu.memref_slice %arg4[%add3A, %mul3A_12, %dma_wait3A_25] : memref<32x80x128xi32, #tpu.memory_space<hbm>> -> memref<1x8x128xi32, #tpu.memory_space<hbm>>
        %dma_wait3A_27 = tpu.memref_squeeze %dma_wait3A_26 : memref<1x8x128xi32, #tpu.memory_space<hbm>> -> memref<8x128xi32, #tpu.memory_space<hbm>>
        tpu.wait_dma2 semaphore(%run_scoped3A : memref<!tpu.dma_semaphore, #tpu.memory_space<semaphore_mem>>) src(%dma_wait3A_27 : memref<8x128xi32, #tpu.memory_space<hbm>>) dst(%arg8 : memref<8x128xi32, #tpu.memory_space<vmem>>)
        tpu.yield
      }) : () -> ()
      %scan3A_13 = arith.constant 0 : i32
      %scan3A_14 = arith.constant 4 : i32
      %scan3A_15 = arith.addi %scan3A_13, %scan3A_14 : i32
      %scan3A_16 = arith.constant 1 : i32
      scf.for %scan3A_18 = %scan3A_13 to %scan3A_15 step %scan3A_16  : i32 {
        %mul3A_19 = arith.constant 2 : i32
        %mul3A_20 = arith.muli %mul3A_19, %scan3A_18 : i32
        %add3A_21 = arith.constant 1 : i32
        %add3A_22 = arith.addi %mul3A_20, %add3A_21 : i32
        %dma_start3A = arith.constant 0 : i32
        %dma_start3A_23 = tpu.memref_slice %arg7[%mul3A_20, %dma_start3A] : memref<8x128xi32, #tpu.memory_space<vmem>> -> memref<1x128xi32, #tpu.memory_space<vmem>>
        %dma_start3A_24 = tpu.memref_squeeze %dma_start3A_23 : memref<1x128xi32, #tpu.memory_space<vmem>> -> memref<128xi32, #tpu.memory_space<vmem>>
        %dma_start3A_25 = arith.constant 0 : i32
        %dma_start3A_26 = arith.constant 0 : i32
        %dma_start3A_27 = tpu.memref_slice %arg2[%dma_start3A_25, %dma_start3A_26] : memref<10000x128xf32, #tpu.memory_space<hbm>> -> memref<10000x128xf32, #tpu.memory_space<hbm>>
        tpu.enqueue_indirect_dma source(%dma_start3A_27 : memref<10000x128xf32, #tpu.memory_space<hbm>>) target(%arg9 : memref<128x128xf32, #tpu.memory_space<vmem>>) offsets(%dma_start3A_24 : memref<128xi32, #tpu.memory_space<vmem>>) semaphore(%arg12 : memref<!tpu.dma_semaphore, #tpu.memory_space<semaphore_mem>>)
        %dma_start3A_28 = arith.constant 0 : i32
        %dma_start3A_29 = tpu.memref_slice %arg7[%add3A_22, %dma_start3A_28] : memref<8x128xi32, #tpu.memory_space<vmem>> -> memref<1x128xi32, #tpu.memory_space<vmem>>
        %dma_start3A_30 = tpu.memref_squeeze %dma_start3A_29 : memref<1x128xi32, #tpu.memory_space<vmem>> -> memref<128xi32, #tpu.memory_space<vmem>>
        %dma_start3A_31 = arith.constant 0 : i32
        %dma_start3A_32 = arith.constant 0 : i32
        %dma_start3A_33 = tpu.memref_slice %arg2[%dma_start3A_31, %dma_start3A_32] : memref<10000x128xf32, #tpu.memory_space<hbm>> -> memref<10000x128xf32, #tpu.memory_space<hbm>>
        tpu.enqueue_indirect_dma source(%dma_start3A_33 : memref<10000x128xf32, #tpu.memory_space<hbm>>) target(%arg10 : memref<128x128xf32, #tpu.memory_space<vmem>>) offsets(%dma_start3A_30 : memref<128xi32, #tpu.memory_space<vmem>>) semaphore(%arg13 : memref<!tpu.dma_semaphore, #tpu.memory_space<semaphore_mem>>)
        %dma_wait3A = arith.constant 0 : i32
        %dma_wait3A_34 = tpu.memref_slice %arg7[%mul3A_20, %dma_wait3A] : memref<8x128xi32, #tpu.memory_space<vmem>> -> memref<1x128xi32, #tpu.memory_space<vmem>>
        %dma_wait3A_35 = tpu.memref_squeeze %dma_wait3A_34 : memref<1x128xi32, #tpu.memory_space<vmem>> -> memref<128xi32, #tpu.memory_space<vmem>>
        %dma_wait3A_36 = arith.constant 0 : i32
        %dma_wait3A_37 = arith.constant 0 : i32
        %dma_wait3A_38 = tpu.memref_slice %arg2[%dma_wait3A_36, %dma_wait3A_37] : memref<10000x128xf32, #tpu.memory_space<hbm>> -> memref<10000x128xf32, #tpu.memory_space<hbm>>
        tpu.wait_indirect_dma semaphore(%arg12 : memref<!tpu.dma_semaphore, #tpu.memory_space<semaphore_mem>>) src(%dma_wait3A_38 : memref<10000x128xf32, #tpu.memory_space<hbm>>) dst(%arg9 : memref<128x128xf32, #tpu.memory_space<vmem>>)
        "tpu.region"() ({
          %run_scoped3A = tpu.sem_alloc : memref<!tpu.dma_semaphore, #tpu.memory_space<semaphore_mem>>
          %dma_start3A_45 = arith.constant 0 : i32
          %dma_start3A_46 = tpu.memref_slice %arg8[%mul3A_20, %dma_start3A_45] : memref<8x128xi32, #tpu.memory_space<vmem>> -> memref<1x128xi32, #tpu.memory_space<vmem>>
          %dma_start3A_47 = tpu.memref_squeeze %dma_start3A_46 : memref<1x128xi32, #tpu.memory_space<vmem>> -> memref<128xi32, #tpu.memory_space<vmem>>
          %dma_start3A_48 = arith.constant 0 : i32
          %dma_start3A_49 = arith.constant 0 : i32
          %dma_start3A_50 = tpu.memref_slice %arg11[%dma_start3A_48, %dma_start3A_49] : memref<10112x128xf32, #tpu.memory_space<vmem_shared>> -> memref<10112x128xf32, #tpu.memory_space<vmem_shared>>
          tpu.enqueue_indirect_dma source(%arg9 : memref<128x128xf32, #tpu.memory_space<vmem>>) target(%dma_start3A_50 : memref<10112x128xf32, #tpu.memory_space<vmem_shared>>) offsets(%dma_start3A_47 : memref<128xi32, #tpu.memory_space<vmem>>) semaphore(%run_scoped3A : memref<!tpu.dma_semaphore, #tpu.memory_space<semaphore_mem>>) {add = true}
          %dma_wait3A_51 = arith.constant 0 : i32
          %dma_wait3A_52 = tpu.memref_slice %arg8[%mul3A_20, %dma_wait3A_51] : memref<8x128xi32, #tpu.memory_space<vmem>> -> memref<1x128xi32, #tpu.memory_space<vmem>>
          %dma_wait3A_53 = tpu.memref_squeeze %dma_wait3A_52 : memref<1x128xi32, #tpu.memory_space<vmem>> -> memref<128xi32, #tpu.memory_space<vmem>>
          %dma_wait3A_54 = arith.constant 0 : i32
          %dma_wait3A_55 = arith.constant 0 : i32
          %dma_wait3A_56 = tpu.memref_slice %arg11[%dma_wait3A_54, %dma_wait3A_55] : memref<10112x128xf32, #tpu.memory_space<vmem_shared>> -> memref<10112x128xf32, #tpu.memory_space<vmem_shared>>
          tpu.wait_indirect_dma semaphore(%run_scoped3A : memref<!tpu.dma_semaphore, #tpu.memory_space<semaphore_mem>>) src(%arg9 : memref<128x128xf32, #tpu.memory_space<vmem>>) dst(%dma_wait3A_56 : memref<10112x128xf32, #tpu.memory_space<vmem_shared>>)
          tpu.yield
        }) : () -> ()
        %dma_wait3A_39 = arith.constant 0 : i32
        %dma_wait3A_40 = tpu.memref_slice %arg7[%add3A_22, %dma_wait3A_39] : memref<8x128xi32, #tpu.memory_space<vmem>> -> memref<1x128xi32, #tpu.memory_space<vmem>>
        %dma_wait3A_41 = tpu.memref_squeeze %dma_wait3A_40 : memref<1x128xi32, #tpu.memory_space<vmem>> -> memref<128xi32, #tpu.memory_space<vmem>>
        %dma_wait3A_42 = arith.constant 0 : i32
        %dma_wait3A_43 = arith.constant 0 : i32
        %dma_wait3A_44 = tpu.memref_slice %arg2[%dma_wait3A_42, %dma_wait3A_43] : memref<10000x128xf32, #tpu.memory_space<hbm>> -> memref<10000x128xf32, #tpu.memory_space<hbm>>
        tpu.wait_indirect_dma semaphore(%arg13 : memref<!tpu.dma_semaphore, #tpu.memory_space<semaphore_mem>>) src(%dma_wait3A_44 : memref<10000x128xf32, #tpu.memory_space<hbm>>) dst(%arg10 : memref<128x128xf32, #tpu.memory_space<vmem>>)
        "tpu.region"() ({
          %run_scoped3A = tpu.sem_alloc : memref<!tpu.dma_semaphore, #tpu.memory_space<semaphore_mem>>
          %dma_start3A_45 = arith.constant 0 : i32
          %dma_start3A_46 = tpu.memref_slice %arg8[%add3A_22, %dma_start3A_45] : memref<8x128xi32, #tpu.memory_space<vmem>> -> memref<1x128xi32, #tpu.memory_space<vmem>>
          %dma_start3A_47 = tpu.memref_squeeze %dma_start3A_46 : memref<1x128xi32, #tpu.memory_space<vmem>> -> memref<128xi32, #tpu.memory_space<vmem>>
          %dma_start3A_48 = arith.constant 0 : i32
          %dma_start3A_49 = arith.constant 0 : i32
          %dma_start3A_50 = tpu.memref_slice %arg11[%dma_start3A_48, %dma_start3A_49] : memref<10112x128xf32, #tpu.memory_space<vmem_shared>> -> memref<10112x128xf32, #tpu.memory_space<vmem_shared>>
          tpu.enqueue_indirect_dma source(%arg10 : memref<128x128xf32, #tpu.memory_space<vmem>>) target(%dma_start3A_50 : memref<10112x128xf32, #tpu.memory_space<vmem_shared>>) offsets(%dma_start3A_47 : memref<128xi32, #tpu.memory_space<vmem>>) semaphore(%run_scoped3A : memref<!tpu.dma_semaphore, #tpu.memory_space<semaphore_mem>>) {add = true}
          %dma_wait3A_51 = arith.constant 0 : i32
          %dma_wait3A_52 = tpu.memref_slice %arg8[%add3A_22, %dma_wait3A_51] : memref<8x128xi32, #tpu.memory_space<vmem>> -> memref<1x128xi32, #tpu.memory_space<vmem>>
          %dma_wait3A_53 = tpu.memref_squeeze %dma_wait3A_52 : memref<1x128xi32, #tpu.memory_space<vmem>> -> memref<128xi32, #tpu.memory_space<vmem>>
          %dma_wait3A_54 = arith.constant 0 : i32
          %dma_wait3A_55 = arith.constant 0 : i32
          %dma_wait3A_56 = tpu.memref_slice %arg11[%dma_wait3A_54, %dma_wait3A_55] : memref<10112x128xf32, #tpu.memory_space<vmem_shared>> -> memref<10112x128xf32, #tpu.memory_space<vmem_shared>>
          tpu.wait_indirect_dma semaphore(%run_scoped3A : memref<!tpu.dma_semaphore, #tpu.memory_space<semaphore_mem>>) src(%arg10 : memref<128x128xf32, #tpu.memory_space<vmem>>) dst(%dma_wait3A_56 : memref<10112x128xf32, #tpu.memory_space<vmem_shared>>)
          tpu.yield
        }) : () -> ()
      }
      %scan3A_17 = arith.constant 4 : i32
    }
    %scan3A_6 = arith.constant 10 : i32
    %barrier3A_7 = arith.constant 0 : index
    tpu.barrier barrier_id(%barrier3A_7)
    "tpu.region"() ({
      %run_scoped3A = tpu.sem_alloc : memref<!tpu.dma_semaphore, #tpu.memory_space<semaphore_mem>>
      %dma_start3A = arith.constant 0 : i32
      %dma_start3A_8 = tpu.memref_slice %arg6[%arg0, %mul3A_2, %dma_start3A] : memref<2x10112x128xf32, #tpu.memory_space<hbm>> -> memref<1x632x128xf32, #tpu.memory_space<hbm>>
      %dma_start3A_9 = tpu.memref_squeeze %dma_start3A_8 : memref<1x632x128xf32, #tpu.memory_space<hbm>> -> memref<632x128xf32, #tpu.memory_space<hbm>>
      %dma_start3A_10 = arith.constant 0 : i32
      %dma_start3A_11 = tpu.memref_slice %arg11[%mul3A_2, %dma_start3A_10] : memref<10112x128xf32, #tpu.memory_space<vmem_shared>> -> memref<632x128xf32, #tpu.memory_space<vmem_shared>>
      tpu.enqueue_dma source(%dma_start3A_11 : memref<632x128xf32, #tpu.memory_space<vmem_shared>>) target(%dma_start3A_9 : memref<632x128xf32, #tpu.memory_space<hbm>>) target_semaphore(%run_scoped3A : memref<!tpu.dma_semaphore, #tpu.memory_space<semaphore_mem>>)
      %dma_wait3A = arith.constant 0 : i32
      %dma_wait3A_12 = tpu.memref_slice %arg6[%arg0, %mul3A_2, %dma_wait3A] : memref<2x10112x128xf32, #tpu.memory_space<hbm>> -> memref<1x632x128xf32, #tpu.memory_space<hbm>>
      %dma_wait3A_13 = tpu.memref_squeeze %dma_wait3A_12 : memref<1x632x128xf32, #tpu.memory_space<hbm>> -> memref<632x128xf32, #tpu.memory_space<hbm>>
      %dma_wait3A_14 = arith.constant 0 : i32
      %dma_wait3A_15 = tpu.memref_slice %arg11[%mul3A_2, %dma_wait3A_14] : memref<10112x128xf32, #tpu.memory_space<vmem_shared>> -> memref<632x128xf32, #tpu.memory_space<vmem_shared>>
      tpu.wait_dma2 semaphore(%run_scoped3A : memref<!tpu.dma_semaphore, #tpu.memory_space<semaphore_mem>>) src(%dma_wait3A_15 : memref<632x128xf32, #tpu.memory_space<vmem_shared>>) dst(%dma_wait3A_13 : memref<632x128xf32, #tpu.memory_space<hbm>>)
      tpu.yield
    }) : () -> ()
    return
  }
}

module attributes {stable_mosaic.version = 14 : i64} {
  func.func @tc_inv_cnt(%arg0: memref<10112x1xf32, #tpu.memory_space<vmem>>, %arg1: memref<10112x1xf32, #tpu.memory_space<vmem>>) attributes {dimension_semantics = [], scalar_prefetch = 0 : i64, scratch_operands = 0 : i64, tpu.core_type = #tpu.core_type<tc>} {
    %get3A = arith.constant 0 : index
    %get3A_0 = arith.constant 0 : index
    %get3A_1 = vector.load %arg0[%get3A, %get3A_0] : memref<10112x1xf32, #tpu.memory_space<vmem>>, vector<10112x1xf32>
    %max3A = arith.constant 1.000000e+00 : f32
    %max3A_2 = vector.broadcast %max3A : f32 to vector<10112x1xf32>
    %max3A_3 = arith.maximumf %get3A_1, %max3A_2 : vector<10112x1xf32>
    %div3A = arith.constant 1.000000e+00 : f32
    %div3A_4 = vector.broadcast %div3A : f32 to vector<10112x1xf32>
    %div3A_5 = arith.divf %div3A_4, %max3A_3 : vector<10112x1xf32>
    %swap3A = arith.constant 0 : index
    %swap3A_6 = arith.constant 0 : index
    %swap3A_7 = vector.load %arg1[%swap3A, %swap3A_6] : memref<10112x1xf32, #tpu.memory_space<vmem>>, vector<10112x1xf32>
    tpu.vector_store %arg1[%swap3A, %swap3A_6], %div3A_5 {strides = array<i32>} : memref<10112x1xf32, #tpu.memory_space<vmem>>, vector<10112x1xf32>,
    return
  }
}

module attributes {stable_mosaic.version = 14 : i64} {
  func.func @tc_sage_relu(%arg0: i32, %arg1: memref<2x400x128xf32, #tpu.memory_space<vmem>>, %arg2: memref<400x1xf32, #tpu.memory_space<vmem>>, %arg3: memref<400x128xf32, #tpu.memory_space<vmem>>, %arg4: memref<128x128xf32, #tpu.memory_space<vmem>>, %arg5: memref<1x128xf32, #tpu.memory_space<vmem>>, %arg6: memref<128x128xf32, #tpu.memory_space<vmem>>, %arg7: memref<400x128xf32, #tpu.memory_space<vmem>>) attributes {dimension_semantics = [#tpu.dimension_semantics<arbitrary>], iteration_bounds = array<i64: 25>, scalar_prefetch = 0 : i64, scratch_operands = 0 : i64, tpu.core_type = #tpu.core_type<tc>, window_params = [{transform_indices = @transform_0, window_bounds = array<i64: 2, 400, 128>}, {transform_indices = @transform_1, window_bounds = array<i64: 400, 1>}, {transform_indices = @transform_2, window_bounds = array<i64: 400, 128>}, {pipeline_mode = #tpu.pipeline_mode<synchronous>, transform_indices = @transform_3, window_bounds = array<i64: 128, 128>}, {pipeline_mode = #tpu.pipeline_mode<synchronous>, transform_indices = @transform_4, window_bounds = array<i64: 1, 128>}, {pipeline_mode = #tpu.pipeline_mode<synchronous>, transform_indices = @transform_5, window_bounds = array<i64: 128, 128>}, {transform_indices = @transform_6, window_bounds = array<i64: 400, 128>}]} {
    %get3A = arith.constant 0 : index
    %get3A_0 = arith.constant 0 : index
    %get3A_1 = arith.constant 0 : index
    %get3A_2 = vector.load %arg1[%get3A, %get3A_0, %get3A_1] : memref<2x400x128xf32, #tpu.memory_space<vmem>>, vector<1x400x128xf32>
    %get3A_3 = vector.shape_cast %get3A_2 : vector<1x400x128xf32> to vector<400x128xf32>
    %get3A_4 = arith.constant 1 : index
    %get3A_5 = arith.constant 0 : index
    %get3A_6 = arith.constant 0 : index
    %get3A_7 = vector.load %arg1[%get3A_4, %get3A_5, %get3A_6] : memref<2x400x128xf32, #tpu.memory_space<vmem>>, vector<1x400x128xf32>
    %get3A_8 = vector.shape_cast %get3A_7 : vector<1x400x128xf32> to vector<400x128xf32>
    %add3A = arith.addf %get3A_3, %get3A_8 : vector<400x128xf32>
    %get3A_9 = arith.constant 0 : index
    %get3A_10 = arith.constant 0 : index
    %get3A_11 = vector.load %arg2[%get3A_9, %get3A_10] : memref<400x1xf32, #tpu.memory_space<vmem>>, vector<400x1xf32>
    %mul3A = vector.broadcast %get3A_11 : vector<400x1xf32> to vector<400x128xf32>
    %mul3A_12 = arith.mulf %add3A, %mul3A : vector<400x128xf32>
    %get3A_13 = arith.constant 0 : index
    %get3A_14 = arith.constant 0 : index
    %get3A_15 = vector.load %arg4[%get3A_13, %get3A_14] : memref<128x128xf32, #tpu.memory_space<vmem>>, vector<128x128xf32>
    %dot_general3A = arith.constant dense<0.000000e+00> : vector<400x128xf32>
    %dot_general3A_16 = tpu.matmul %mul3A_12, %get3A_15, %dot_general3A {dimension_numbers = #tpu.dot_dimension_numbers<[1], [0], [0], [1], [0, 0, 1, 1], [], []>, transpose_lhs_hint = false} : vector<400x128xf32>, vector<128x128xf32>, vector<400x128xf32> -> vector<400x128xf32>
    %get3A_17 = arith.constant 0 : index
    %get3A_18 = arith.constant 0 : index
    %get3A_19 = vector.load %arg5[%get3A_17, %get3A_18] : memref<1x128xf32, #tpu.memory_space<vmem>>, vector<1x128xf32>
    %add3A_20 = vector.broadcast %get3A_19 : vector<1x128xf32> to vector<400x128xf32>
    %add3A_21 = arith.addf %dot_general3A_16, %add3A_20 : vector<400x128xf32>
    %get3A_22 = arith.constant 0 : index
    %get3A_23 = arith.constant 0 : index
    %get3A_24 = vector.load %arg3[%get3A_22, %get3A_23] : memref<400x128xf32, #tpu.memory_space<vmem>>, vector<400x128xf32>
    %get3A_25 = arith.constant 0 : index
    %get3A_26 = arith.constant 0 : index
    %get3A_27 = vector.load %arg6[%get3A_25, %get3A_26] : memref<128x128xf32, #tpu.memory_space<vmem>>, vector<128x128xf32>
    %dot_general3A_28 = arith.constant dense<0.000000e+00> : vector<400x128xf32>
    %dot_general3A_29 = tpu.matmul %get3A_24, %get3A_27, %dot_general3A_28 {dimension_numbers = #tpu.dot_dimension_numbers<[1], [0], [0], [1], [0, 0, 1, 1], [], []>, transpose_lhs_hint = false} : vector<400x128xf32>, vector<128x128xf32>, vector<400x128xf32> -> vector<400x128xf32>
    %add3A_30 = arith.addf %add3A_21, %dot_general3A_29 : vector<400x128xf32>
    %max3A = arith.constant 0.000000e+00 : f32
    %max3A_31 = vector.broadcast %max3A : f32 to vector<400x128xf32>
    %max3A_32 = arith.maximumf %add3A_30, %max3A_31 : vector<400x128xf32>
    %swap3A = arith.constant 0 : index
    %swap3A_33 = arith.constant 0 : index
    %swap3A_34 = vector.load %arg7[%swap3A, %swap3A_33] : memref<400x128xf32, #tpu.memory_space<vmem>>, vector<400x128xf32>
    tpu.vector_store %arg7[%swap3A, %swap3A_33], %max3A_32 {strides = array<i32>} : memref<400x128xf32, #tpu.memory_space<vmem>>, vector<400x128xf32>,
    return
  }
  func.func @transform_0(%arg0: i32) -> (i32, i32, i32) {
    %c0_i32 = arith.constant 0 : i32
    %c0_i32_0 = arith.constant 0 : i32
    %c0_i32_1 = arith.constant 0 : i32
    return %c0_i32, %arg0, %c0_i32_0 : i32, i32, i32
  }
  func.func @transform_1(%arg0: i32) -> (i32, i32) {
    %c0_i32 = arith.constant 0 : i32
    %c0_i32_0 = arith.constant 0 : i32
    return %arg0, %c0_i32 : i32, i32
  }
  func.func @transform_2(%arg0: i32) -> (i32, i32) {
    %c0_i32 = arith.constant 0 : i32
    %c0_i32_0 = arith.constant 0 : i32
    return %arg0, %c0_i32 : i32, i32
  }
  func.func @transform_3(%arg0: i32) -> (i32, i32) {
    %c0_i32 = arith.constant 0 : i32
    %c0_i32_0 = arith.constant 0 : i32
    %c0_i32_1 = arith.constant 0 : i32
    return %c0_i32, %c0_i32_0 : i32, i32
  }
  func.func @transform_4(%arg0: i32) -> (i32, i32) {
    %c0_i32 = arith.constant 0 : i32
    %c0_i32_0 = arith.constant 0 : i32
    %c0_i32_1 = arith.constant 0 : i32
    return %c0_i32, %c0_i32_0 : i32, i32
  }
  func.func @transform_5(%arg0: i32) -> (i32, i32) {
    %c0_i32 = arith.constant 0 : i32
    %c0_i32_0 = arith.constant 0 : i32
    %c0_i32_1 = arith.constant 0 : i32
    return %c0_i32, %c0_i32_0 : i32, i32
  }
  func.func @transform_6(%arg0: i32) -> (i32, i32) {
    %c0_i32 = arith.constant 0 : i32
    %c0_i32_0 = arith.constant 0 : i32
    return %arg0, %c0_i32 : i32, i32
  }
}

module attributes {stable_mosaic.version = 14 : i64} {
  func.func @tc_sage_ls(%arg0: i32, %arg1: memref<2x400x128xf32, #tpu.memory_space<vmem>>, %arg2: memref<400x1xf32, #tpu.memory_space<vmem>>, %arg3: memref<400x128xf32, #tpu.memory_space<vmem>>, %arg4: memref<128x128xf32, #tpu.memory_space<vmem>>, %arg5: memref<1x128xf32, #tpu.memory_space<vmem>>, %arg6: memref<128x128xf32, #tpu.memory_space<vmem>>, %arg7: memref<400x128xf32, #tpu.memory_space<vmem>>) attributes {dimension_semantics = [#tpu.dimension_semantics<arbitrary>], iteration_bounds = array<i64: 25>, scalar_prefetch = 0 : i64, scratch_operands = 0 : i64, tpu.core_type = #tpu.core_type<tc>, window_params = [{transform_indices = @transform_0, window_bounds = array<i64: 2, 400, 128>}, {transform_indices = @transform_1, window_bounds = array<i64: 400, 1>}, {transform_indices = @transform_2, window_bounds = array<i64: 400, 128>}, {pipeline_mode = #tpu.pipeline_mode<synchronous>, transform_indices = @transform_3, window_bounds = array<i64: 128, 128>}, {pipeline_mode = #tpu.pipeline_mode<synchronous>, transform_indices = @transform_4, window_bounds = array<i64: 1, 128>}, {pipeline_mode = #tpu.pipeline_mode<synchronous>, transform_indices = @transform_5, window_bounds = array<i64: 128, 128>}, {transform_indices = @transform_6, window_bounds = array<i64: 400, 128>}]} {
    %get3A = arith.constant 0 : index
    %get3A_0 = arith.constant 0 : index
    %get3A_1 = arith.constant 0 : index
    %get3A_2 = vector.load %arg1[%get3A, %get3A_0, %get3A_1] : memref<2x400x128xf32, #tpu.memory_space<vmem>>, vector<1x400x128xf32>
    %get3A_3 = vector.shape_cast %get3A_2 : vector<1x400x128xf32> to vector<400x128xf32>
    %get3A_4 = arith.constant 1 : index
    %get3A_5 = arith.constant 0 : index
    %get3A_6 = arith.constant 0 : index
    %get3A_7 = vector.load %arg1[%get3A_4, %get3A_5, %get3A_6] : memref<2x400x128xf32, #tpu.memory_space<vmem>>, vector<1x400x128xf32>
    %get3A_8 = vector.shape_cast %get3A_7 : vector<1x400x128xf32> to vector<400x128xf32>
    %add3A = arith.addf %get3A_3, %get3A_8 : vector<400x128xf32>
    %get3A_9 = arith.constant 0 : index
    %get3A_10 = arith.constant 0 : index
    %get3A_11 = vector.load %arg2[%get3A_9, %get3A_10] : memref<400x1xf32, #tpu.memory_space<vmem>>, vector<400x1xf32>
    %mul3A = vector.broadcast %get3A_11 : vector<400x1xf32> to vector<400x128xf32>
    %mul3A_12 = arith.mulf %add3A, %mul3A : vector<400x128xf32>
    %get3A_13 = arith.constant 0 : index
    %get3A_14 = arith.constant 0 : index
    %get3A_15 = vector.load %arg4[%get3A_13, %get3A_14] : memref<128x128xf32, #tpu.memory_space<vmem>>, vector<128x128xf32>
    %dot_general3A = arith.constant dense<0.000000e+00> : vector<400x128xf32>
    %dot_general3A_16 = tpu.matmul %mul3A_12, %get3A_15, %dot_general3A {dimension_numbers = #tpu.dot_dimension_numbers<[1], [0], [0], [1], [0, 0, 1, 1], [], []>, transpose_lhs_hint = false} : vector<400x128xf32>, vector<128x128xf32>, vector<400x128xf32> -> vector<400x128xf32>
    %get3A_17 = arith.constant 0 : index
    %get3A_18 = arith.constant 0 : index
    %get3A_19 = vector.load %arg5[%get3A_17, %get3A_18] : memref<1x128xf32, #tpu.memory_space<vmem>>, vector<1x128xf32>
    %add3A_20 = vector.broadcast %get3A_19 : vector<1x128xf32> to vector<400x128xf32>
    %add3A_21 = arith.addf %dot_general3A_16, %add3A_20 : vector<400x128xf32>
    %get3A_22 = arith.constant 0 : index
    %get3A_23 = arith.constant 0 : index
    %get3A_24 = vector.load %arg3[%get3A_22, %get3A_23] : memref<400x128xf32, #tpu.memory_space<vmem>>, vector<400x128xf32>
    %get3A_25 = arith.constant 0 : index
    %get3A_26 = arith.constant 0 : index
    %get3A_27 = vector.load %arg6[%get3A_25, %get3A_26] : memref<128x128xf32, #tpu.memory_space<vmem>>, vector<128x128xf32>
    %dot_general3A_28 = arith.constant dense<0.000000e+00> : vector<400x128xf32>
    %dot_general3A_29 = tpu.matmul %get3A_24, %get3A_27, %dot_general3A_28 {dimension_numbers = #tpu.dot_dimension_numbers<[1], [0], [0], [1], [0, 0, 1, 1], [], []>, transpose_lhs_hint = false} : vector<400x128xf32>, vector<128x128xf32>, vector<400x128xf32> -> vector<400x128xf32>
    %add3A_30 = arith.addf %add3A_21, %dot_general3A_29 : vector<400x128xf32>
    %max3A = arith.constant 0.000000e+00 : f32
    %max3A_31 = vector.broadcast %max3A : f32 to vector<400x128xf32>
    %max3A_32 = arith.maximumf %add3A_30, %max3A_31 : vector<400x128xf32>
    %reduce_max3A = arith.constant dense<0xFF800000> : vector<400xf32>
    %reduce_max3A_33 = vector.multi_reduction <maximumf>, %max3A_32, %reduce_max3A [1] : vector<400x128xf32> to vector<400xf32>
    %broadcast_in_dim3A = vector.shape_cast %reduce_max3A_33 : vector<400xf32> to vector<400x1xf32>
    %sub3A = vector.broadcast %broadcast_in_dim3A : vector<400x1xf32> to vector<400x128xf32>
    %sub3A_34 = arith.subf %max3A_32, %sub3A : vector<400x128xf32>
    %exp3A = math.exp %sub3A_34 : vector<400x128xf32>
    %reduce_sum3A = arith.constant dense<0.000000e+00> : vector<400xf32>
    %reduce_sum3A_35 = vector.multi_reduction <add>, %exp3A, %reduce_sum3A [1] : vector<400x128xf32> to vector<400xf32>
    %broadcast_in_dim3A_36 = vector.shape_cast %reduce_sum3A_35 : vector<400xf32> to vector<400x1xf32>
    %log3A = math.log %broadcast_in_dim3A_36 : vector<400x1xf32>
    %sub3A_37 = vector.broadcast %log3A : vector<400x1xf32> to vector<400x128xf32>
    %sub3A_38 = arith.subf %sub3A_34, %sub3A_37 : vector<400x128xf32>
    %swap3A = arith.constant 0 : index
    %swap3A_39 = arith.constant 0 : index
    %swap3A_40 = vector.load %arg7[%swap3A, %swap3A_39] : memref<400x128xf32, #tpu.memory_space<vmem>>, vector<400x128xf32>
    tpu.vector_store %arg7[%swap3A, %swap3A_39], %sub3A_38 {strides = array<i32>} : memref<400x128xf32, #tpu.memory_space<vmem>>, vector<400x128xf32>,
    return
  }
  func.func @transform_0(%arg0: i32) -> (i32, i32, i32) {
    %c0_i32 = arith.constant 0 : i32
    %c0_i32_0 = arith.constant 0 : i32
    %c0_i32_1 = arith.constant 0 : i32
    return %c0_i32, %arg0, %c0_i32_0 : i32, i32, i32
  }
  func.func @transform_1(%arg0: i32) -> (i32, i32) {
    %c0_i32 = arith.constant 0 : i32
    %c0_i32_0 = arith.constant 0 : i32
    return %arg0, %c0_i32 : i32, i32
  }
  func.func @transform_2(%arg0: i32) -> (i32, i32) {
    %c0_i32 = arith.constant 0 : i32
    %c0_i32_0 = arith.constant 0 : i32
    return %arg0, %c0_i32 : i32, i32
  }
  func.func @transform_3(%arg0: i32) -> (i32, i32) {
    %c0_i32 = arith.constant 0 : i32
    %c0_i32_0 = arith.constant 0 : i32
    %c0_i32_1 = arith.constant 0 : i32
    return %c0_i32, %c0_i32_0 : i32, i32
  }
  func.func @transform_4(%arg0: i32) -> (i32, i32) {
    %c0_i32 = arith.constant 0 : i32
    %c0_i32_0 = arith.constant 0 : i32
    %c0_i32_1 = arith.constant 0 : i32
    return %c0_i32, %c0_i32_0 : i32, i32
  }
  func.func @transform_5(%arg0: i32) -> (i32, i32) {
    %c0_i32 = arith.constant 0 : i32
    %c0_i32_0 = arith.constant 0 : i32
    %c0_i32_1 = arith.constant 0 : i32
    return %c0_i32, %c0_i32_0 : i32, i32
  }
  func.func @transform_6(%arg0: i32) -> (i32, i32) {
    %c0_i32 = arith.constant 0 : i32
    %c0_i32_0 = arith.constant 0 : i32
    return %arg0, %c0_i32 : i32, i32
  }
}

</mosaic_0001>

<sc_bundles>
// kernel: sc_agg.4.cloned.1.call-start
scs
__scs_entry_jumppad:
0x0: {  	(pc) =	sbr.rel $0x88, $3  }
0x1: {  	(tag) =	ssettag $0x0;
	lr =	simm.s32 $0x1  }
0x2: {  	[smem:$0x3F99] =	sst lr;
	_ =	strace $0xD0000000  }
0x3: {  	_ = 	snop  }
0x4: {  	_ = 	snop  }
0x5: {  	_ = 	snop  }
0x6: {  	_ = 	snop  }
0x7: {  	_ = 	snop  }
__scs_overlays_trampoline_lowered:
0x8: {  	[smem:$0x3FA8] =	sst s0  }
0x9: {  	[smem:$0x3FA9] =	sst s1  }
0xa: {  	[smem:$0x3FAA] =	sst s2  }
0xb: {  	[smem:$0x3FAB] =	sst s3  }
0xc: {  	[smem:$0x3FAC] =	sst s4  }
0xd: {  	[smem:$0x3FAD] =	sst s5  }
0xe: {  	[smem:$0x3FAE] =	sst s6  }
0xf: {  	[smem:$0x3FAF] =	sst s7  }
0x10: {  	[smem:$0x3FB0] =	sst s8  }
0x11: {  	[smem:$0x3FB1] =	sst s9;
	s0 =	simm.s32 @!p0 $0x0  }
0x12: {  	s1 =	sld [smem:$0x3F97];
	s0 =	simm.s32 @p0 $0x1  }
0x13: {  	[smem:$0x3FB2] =	sst s0;
	s0 =	simm.s32 @!p1 $0x0  }
0x14: {  	s2 =	sld [smem:$0x3F96];
	s0 =	simm.s32 @p1 $0x1  }
0x15: {  	[smem:$0x3FB3] =	sst s0;
	s0 =	simm.s32 @!p2 $0x0  }
0x16: {  	s3 =	sld [smem:$0x3FDB];
	s0 =	simm.s32 @p2 $0x1  }
0x17: {  	s4 =	simm.s32 $0x1BF5;
	[smem:$0x3FB5] =	sst s0  }
0x18: {  	s0 =	sld [smem:$0x3F98];
	_ =	swait.ge [sflag:s4], $0x0  }
0x19: {  	s7 =	sld [smem:$0x3F99]  }
0x1a: {  	s8 =	sadd.s32 $0xFFFFE003, lr  }
0x1b: {  	s9 =	sadd.s32 $0xFFFFFEF7, lr;
	s5 =	simm.s32 $0xFFFFFFFF;
	p2 =	slt.u32 s8, $0xFFFFF086  }
0x1c: {  	p1 =	slt.u32 s9, $0xF7A;
	s5 =	simm.s32 @!p2 $0x0  }
0x1d: {  	s5 =	simm.s32 @p1 $0x1;
	p0 =	seq.s32 s7, s2  }
0x1e: {  	s7 =	smul.u32 @!p0 $0xF7A, s2;
	p2 =	seq.s32 @!p0 s5, $0x0  }
0x1f: {  	s9 =	smul.u32 $0xF7A, s1;
	s8 =	simm.s32 @!p0 $0x1BF5;
	p2 =	por !p2, p0  }
0x20: {  	[sflag:s8] =	ssyncset.s32 @!p0 $0xFFFFF086;
	s6 =	sadd.s32 @!p0 s3, s7;
	s7 =	simm.s32 @!p0 $0x108  }
0x21: {  	s3 =	sadd.s32 s3, s9;
	s6 =	sadd.s32 @!p0 $0x88, s6;
	s7 =	simm.s32 @p2 $0x1082  }
0x22: {  	[simem:s7], [sflag:s8] =	dma.local @!p0 [hbm:s6], $0xF7A  }
0x23: {  	s9 =	sor.u32 $0xD0000000, s2;
	s6 =	simm.s32 $0x108;
	_ =	swait.ge @!p0 [sflag:s8], $0x0  }
0x24: {  	s3 =	sadd.s32 $0x88, s3;
	s6 =	simm.s32 @!p1 $0x1082;
	[sflag:s4] =	ssyncset.s32 $0xFFFFF086  }
0x25: {  	[simem:s6], [sflag:s4] =	dma.local [hbm:s3], $0xF7A  }
0x26: {  	[smem:$0x3F99] =	sst s1;
	(tag) =	ssettag s2;
	_ =	strace s9  }
0x27: {  	s1 =	sld [smem:$0x3FA9]  }
0x28: {  	s2 =	sld [smem:$0x3FAA]  }
0x29: {  	s4 =	sld [smem:$0x3FAC]  }
0x2a: {  	p0 =	seq.s32 s5, $0x0;
	s5 =	sld [smem:$0x3FAD]  }
0x2b: {  	s6 =	sld [smem:$0x3FAE]  }
0x2c: {  	s7 =	sld [smem:$0x3FAF]  }
0x2d: {  	s3 =	simm.s32 $0x108;
	s8 =	sld [smem:$0x3FB0]  }
0x2e: {  	s3 =	simm.s32 @!p0 $0x1082;
	s9 =	sld [smem:$0x3FB1]  }
0x2f: {  	lr =	sadd.s32 s0, s3;
	s0 =	sld [smem:$0x3FA8]  }
0x30: {  	s3 =	sld [smem:$0x3FAB]  }
0x31: {  	[smem:$0x3FB4] =	sst s10  }
0x32: {  	s10 =	sld [smem:$0x3FB2];
	_ =	sdelay $0x3  }
0x33: {  	p0 =	seq.s32 s10, $0x1;
	s10 =	sld [smem:$0x3FB4];
	_ =	sdelay $0x3  }
0x34: {  	[smem:$0x3FB4] =	sst s10  }
0x35: {  	s10 =	sld [smem:$0x3FB3];
	_ =	sdelay $0x3  }
0x36: {  	p1 =	seq.s32 s10, $0x1;
	s10 =	sld [smem:$0x3FB4];
	_ =	sdelay $0x3  }
0x37: {  	[smem:$0x3FB4] =	sst s10  }
0x38: {  	s10 =	sld [smem:$0x3FB5]  }
0x39: {  	_ = 	snop;
	(pc) =	sbr.ind lr, $3  }
0x3a: {  	_ = 	snop  }
0x3b: {  	_ = 	snop  }
0x3c: {  	p2 =	seq.s32 s10, $0x1;
	s10 =	sld [smem:$0x3FB4]  }
0x3d: {  	_ =	shalt  }
0x3e: {  	_ =	shalt  }
0x3f: {  	_ =	shalt  }
0x40: {  	_ =	shalt  }
0x41: {  	_ =	shalt  }
0x42: {  	_ =	shalt  }
0x43: {  	_ =	shalt  }
0x44: {  	_ =	shalt  }
0x45: {  	_ =	shalt  }
0x46: {  	_ =	shalt  }
0x47: {  	_ =	shalt  }
0x48: {  	_ =	shalt  }
0x49: {  	_ =	shalt  }
0x4a: {  	_ =	shalt  }
0x4b: {  	_ =	shalt  }
0x4c: {  	_ =	shalt  }
0x4d: {  	_ =	shalt  }
0x4e: {  	_ =	shalt  }
0x4f: {  	_ =	shalt  }
0x50: {  	_ =	shalt  }
0x51: {  	_ =	shalt  }
0x52: {  	_ =	shalt  }
0x53: {  	_ =	shalt  }
0x54: {  	_ =	shalt  }
0x55: {  	_ =	shalt  }
0x56: {  	_ =	shalt  }
0x57: {  	_ =	shalt  }
0x58: {  	_ =	shalt  }
0x59: {  	_ =	shalt  }
0x5a: {  	_ =	shalt  }
0x5b: {  	_ =	shalt  }
0x5c: {  	_ =	shalt  }
0x5d: {  	_ =	shalt  }
0x5e: {  	_ =	shalt  }
0x5f: {  	_ =	shalt  }
0x60: {  	_ =	shalt  }
0x61: {  	_ =	shalt  }
0x62: {  	_ =	shalt  }
0x63: {  	_ =	shalt  }
0x64: {  	_ =	shalt  }
0x65: {  	_ =	shalt  }
0x66: {  	_ =	shalt  }
0x67: {  	_ =	shalt  }
0x68: {  	_ =	shalt  }
0x69: {  	_ =	shalt  }
0x6a: {  	_ =	shalt  }
0x6b: {  	_ =	shalt  }
0x6c: {  	_ =	shalt  }
0x6d: {  	_ =	shalt  }
0x6e: {  	_ =	shalt  }
0x6f: {  	_ =	shalt  }
0x70: {  	_ =	shalt  }
0x71: {  	_ =	shalt  }
0x72: {  	_ =	shalt  }
0x73: {  	_ =	shalt  }
0x74: {  	_ =	shalt  }
0x75: {  	_ =	shalt  }
0x76: {  	_ =	shalt  }
0x77: {  	_ =	shalt  }
0x78: {  	_ =	shalt  }
0x79: {  	_ =	shalt  }
0x7a: {  	_ =	shalt  }
0x7b: {  	_ =	shalt  }
0x7c: {  	_ =	shalt  }
0x7d: {  	_ =	shalt  }
0x7e: {  	_ =	shalt  }
0x7f: {  	_ =	shalt  }
0x80: {  	_ =	shalt  }
0x81: {  	_ =	shalt  }
0x82: {  	_ =	shalt  }
0x83: {  	_ =	shalt  }
0x84: {  	_ =	shalt  }
0x85: {  	_ =	shalt  }
0x86: {  	_ =	shalt  }
0x87: {  	_ =	shalt  }
.Lfunc_end0:
.L_simem_size_0:
called_computation.1_lowered:
.L_overlay_start_0:
0x88: {  	s2 =	sld [smem:$0x3FD9]  }
0x89: {  	s3 =	sld [smem:$0x3FFE];
	_ =	sdelay $0x1  }
0x8a: {  	s1 =	srdreg.scid  }
0x8b: {  	s0 =	sand.u32 $0x1, s1  }
0x8c: {  	s17 =	sshll.u32 s0, $0xA;
	s2 =	sadd.s32 s3, s2  }
0x8d: {  	s2 =	sadd.s32 s2, s17  }
0x8e: {  	[smem:$0x3FC0] =	sst s2  }
0x8f: {  	_ = 	snop  }
0x90: {  	s18 =	sld [smem:$0x3FC9];
	(tm) =	ssettm $0x1  }
0x91: {  	s19 =	sld [smem:$0x3FFB];
	_ =	sdelay $0x3  }
0x92: {  	_ =	strace s19  }
0x93: {  	s2 =	sld [smem:$0x3FFC];
	_ =	sdelay $0x3  }
0x94: {  	_ =	strace s2  }
0x95: {  	s2 =	sld [smem:$0x3FFD];
	_ =	sdelay $0x3  }
0x96: {  	_ =	strace s2  }
0x97: {  	_ =	strace $0x8FFFFFFF  }
0x98: {  	s20 =	sld [smem:$0x3FDB];
	_ =	sdelay $0x1  }
0x99: {  	s4 =	simm.s32 $_scs_section_size  }
0x9a: {  	s5 =	simm.s32 $_size__tile_overlayer_lowered;
	s6 =	simm.s32 $_tile_overlayer_lowered  }
0x9b: {  	s7 =	simm.s32 $0x1BFF;
	s21 =	sshll.u32 s6, $0x1;
	s4 =	sadd.s32 s4, s20  }
0x9c: {  	s22 =	simm.s32 $0x0;
	s5 =	sshll.u32 s5, $0x1;
	s6 =	sadd.s32 s21, s4  }
0x9d: {  	[timem:s22], [sflag:s7] =	dma.local [hbm:s6], s5  }
0x9e: {  	_ =	swait.ge [sflag:s7], s5  }
0x9f: {  	s5 =	ssub.s32 $0x0, s5;
	[sflag:s7] =	ssyncset.done $0x0  }
0xa0: {  	[sflag:s7] =	ssyncadd.s32 s5;
	_ =	sdelay $0x1  }
0xa1: {  	s23 =	simm.s32 $0x1B8B  }
0xa2: {  	_ =	swait.ge [sflag:s23], $0x1  }
0xa3: {  	[sflag:s23] =	ssyncset.done $0x0  }
0xa4: {  	[sflag:s23] =	ssyncadd.s32 $0xFFFFFFFF  }
0xa5: {  	s5 =	sld [smem:$0x0]  }
0xa6: {  	s6 =	sand.u32 $0xFFFFFFFE, s1  }
0xa7: {  	p0 =	sne.s32 s1, s6  }
0xa8: {  	s6 =	sshll.u32 @p0 s6, $0xE  }
0xa9: {  	s6 =	sadd.s32 @p0 $0x11B8D, s6;
	s7 =	sshll.u32 @p0 s5, $0x11  }
0xaa: {  	s6 =	sor.u32 @p0 s7, s6  }
0xab: {  	[sflag:s6] =	ssyncadd.remote.s32 @p0 $0x1;
	_ =	sdelay $0x1  }
0xac: {  	s6 =	simm.s32 @p0 $0x1B8D  }
0xad: {  	_ =	swait.eq @p0 [sflag:s6], $0x1  }
0xae: {  	[sflag:s6] =	ssyncadd.s32 @p0 $0xFFFFFFFF  }
0xaf: {  	s7 =	sshll.u32 @!p0 s1, $0xE  }
0xb0: {  	s7 =	sor.u32 @!p0 $0x4000, s7;
	s6 =	simm.s32 @!p0 $0x1B8D  }
0xb1: {  	s5 =	sshll.u32 @!p0 s5, $0x11;
	s7 =	sadd.s32 @!p0 $0x11B8D, s7;
	_ =	swait.eq @!p0 [sflag:s6], $0x1  }
0xb2: {  	s5 =	sor.u32 @!p0 s5, s7;
	[sflag:s6] =	ssyncadd.s32 @!p0 $0xFFFFFFFF  }
0xb3: {  	s25 =	simm.s32 $0x1B8E;
	s24 =	sld [smem:$0x3FFE];
	[sflag:s5] =	ssyncadd.remote.s32 @!p0 $0x1  }
0xb4: {  	s26 =	simm.s32 $execute0_lowered;
	[smem:$0x3FD2] =	sst s25  }
0xb5: {  	s6 =	sshll.u32 s26, $0x1;
	_ =	strace $0x80000049;
	[dreg:$0x1] =	wrdreg $0xFFFFFFFF  }
0xb6: {  	s28 =	simm.s32 $_size_execute0_lowered;
	s4 =	sadd.s32 s4, s6;
	[dreg:$0x0] =	wrdreg $0x0  }
0xb7: {  	s6 =	sshll.u32 s28, $0x1;
	[dreg:$0x2] =	wrdreg s4  }
0xb8: {  	[dreg:$0x3] =	wrdreg s6  }
0xb9: {  	[dreg:$0x4] =	wrdreg $0xC0  }
0xba: {  	_ =	task [dreg:s22], $0x5FFFF  }
0xbb: {  	[dreg:$0x1] =	wrdreg $0xFFFFFFFF  }
0xbc: {  	[dreg:$0x0] =	wrdreg $0x60  }
0xbd: {  	[dreg:$0x2] =	wrdreg s18  }
0xbe: {  	[dreg:$0x3] =	wrdreg s24  }
0xbf: {  	[dreg:$0x4] =	wrdreg $0x88000  }
0xc0: {  	[dreg:$0x5] =	wrdreg $0xA  }
0xc1: {  	_ =	task.clear_ibuf [dreg:s22], $0x6FFFF;
	_ =	strace $0x90000049  }
0xc2: {  	s29 =	simm.s32 $0xA;
	_ =	strace $0x8000004B  }
0xc3: {  	_ =	swait.ge [sflag:s29], $0x1  }
0xc4: {  	[sflag:s29] =	ssyncadd.s32 $0xFFFFFFFF  }
0xc5: {  	_ =	strace $0x9000004B  }
0xc6: {  	_ =	sfence  }
0xc7: {  	s30 =	sld [smem:$0x0];
	_ =	sdelay $0x2  }
0xc8: {  	s31 =	sshll.u32 s1, $0xD;
	s1 =	sshrl.u32 s1, $0x2  }
0xc9: {  	s4 =	sand.u32 $0x4000, s31;
	s1 =	sadd.s32 s1, s30  }
0xca: {  	s0 =	sor.u32 s4, s0;
	s1 =	sshll.u32 s1, $0x11  }
0xcb: {  	s0 =	sor.u32 s1, s0  }
0xcc: {  	s0 =	sadd.s32 $0x8F2B, s0  }
0xcd: {  	[sflag:s0] =	ssyncadd.remote.s32 $0x1  }
0xce: {  	_ =	sfence.sel $0xFFFF  }
0xcf: {  	[dreg:$0x0] =	wrdreg $0xFFFFFFFF;
	(pc) =	sbr.abs _section_cstart, $3  }
0xd0: {  	[dreg:$0x1] =	wrdreg $0xFFFFFFFF  }
0xd1: {  	_ =	task.clear_ibuf [dreg:s22], $0x2FFFF;
	_ =	strace $0x9FFFFFFF  }
0xd2: {  	(tm) =	ssettm $0x7FFFFFFF  }
0xd3: {  	_ =	shalt  }
tec
execute0_lowered:
.L_overlay_start_1:
0x0: {  	(tag) =	ssettag $0x1  }
0x1: {  	s1 =	rddreg [dreg:$0x0];
	s0 =	srdreg.scid  }
0x2: {  	s10 =	stileid.u32;
	s2 =	rddreg [dreg:$0x1]  }
0x3: {  	s3 =	rddreg [dreg:$0x2];
	s4 =	simm.s32 $0x0;
	s12 =	simm.s32 $0x3  }
0x4: {  	s13 =	simm.s32 $0x400;
	s14 =	simm.s32 $0x80;
	s15 =	simm.s32 $0x800  }
0x5: {  	s16 =	simm.s32 $0x4800;
	s17 =	simm.s32 $0x1;
	s18 =	simm.s32 $0x2  }
0x6: {  	s19 =	simm.s32 $0x480;
	s20 =	simm.s32 $0x100;
	s5 =	smul.u32 $0x5000, s10  }
0x7: {  	s21 =	simm.s32 $0x180;
	s28 =	simm.s32 $0x680;
	s22 =	smul.u32 $0x13C00, s10  }
0x8: {  	s29 =	simm.s32 $0x300;
	s0 =	sand.u32 $0x1, s0;
	s23 =	smul.u32 $0x4F000, s10  }
0x9: {  	s30 =	simm.s32 $0x380;
	s31 =	simm.s32 $0x700;
	s6 =	smul.u32 $0x2800, s0  }
0xa: {  	[smem:$0x7FF] =	sst s4;
	s26 =	sshll.u32 s10, $0x6;
	s7 =	smul.u32 $0x13C000, s0  }
0xb: {  	_ =	strace $0x8000004A;
	s0 =	ssub.s32 $0x2, s0;
	s8 =	sshrl.u32 s22, $0x3  }
0xc: {  	s9 =	sshrl.u32 s0, $0x1;
	s24 =	sshrl.u32 s23, $0x2;
	s23 =	simm.s32 $0x580  }
0xd: {  	s5 =	sadd.s32 s6, s5;
	s6 =	sadd.s32 s22, s7;
	s8 =	sadd.s32 s8, s2  }
0xe: {  	s0 =	ssub.s32 s0, s9;
	s7 =	sadd.s32 s24, s3;
	s22 =	simm.s32 $0x500  }
0xf: {  	s24 =	simm.s32 $0x200;
	s5 =	sshrl.u32 s5, $0x3;
	s6 =	sshrl.u32 s6, $0x3  }
0x10: {  	s25 =	sadd.s32 $0x1F400, s8;
	s0 =	smax.u32 s0, $0x1;
	s7 =	sshrl.u32 s7, $0x3  }
0x11: {  	s5 =	sadd.s32 s5, s2;
	s2 =	sadd.s32 s6, s2;
	[dreg:$0x4] =	wrdreg s25  }
0x12: {  	s6 =	sor.u32 $0x1C03, s26;
	[dreg:$0x7] =	wrdreg s0;
	s25 =	simm.s32 $0x280  }
0x13: {  	s26 =	simm.s32 $0x600;
	s0 =	simm.s32 $0x0;
	[dreg:$0x8] =	wrdreg s7  }
0x14: {  	s2 =	sadd.s32 $0x46C00, s2;
	s9 =	sadd.s32 $0xAE00, s5;
	[dreg:$0x5] =	wrdreg s6  }
0x15: {  	s10 =	sadd.s32 $0x14E00, s5;
	[dreg:$0x6] =	wrdreg s2;
	s2 =	simm.s32 $0x780  }
.LBB2_1:
0x16: {  	s5 =	rddreg [dreg:$0x4]  }
0x17: {  	[spmem:s7], [sflag:s6] =	dma.local [hbm:s5], $0x2780  }
0x18: {  	_ =	swait.ge [sflag:s12], $0x2780  }
0x19: {  	[sflag:s12] =	ssyncset.done $0x0  }
0x1a: {  	[sflag:s12] =	ssyncadd.s32 $0xFFFFD880  }
0x1b: {  	s8 =	sadd.s32 $0x0, s10;
	[bflag:$0x0] =	sbarrier.arrive $0xFFFF  }
0x1c: {  	[tilespmem:s4], [sflag:$0x3] =	stream.linear.gather [hbm4b:s8+s4], $0x400, $0x38;
	[tilespmem:$0x1C400] =	vst v63  }
0x1d: {  	_ =	swait.ge [sflag:s12], $0x400  }
0x1e: {  	[sflag:s12] =	ssyncset.done $0x0  }
0x1f: {  	s11 =	sadd.s32 $0x0, s9;
	[sflag:s12] =	ssyncadd.s32 $0xFFFFFC00  }
0x20: {  	[tilespmem:s13], [sflag:$0x3] =	stream.linear.gather [hbm4b:s11+s4], $0x400, $0x38;
	[tilespmem:$0x1C400] =	vst v63  }
0x21: {  	_ =	swait.ge [sflag:s12], $0x400  }
0x22: {  	[sflag:s12] =	ssyncset.done $0x0  }
0x23: {  	[sflag:s12] =	ssyncadd.s32 $0xFFFFFC00  }
0x24: {  	[tilespmem:s15], [sflag:$0x1] =	stream.indirect.gather [hbm4b:s1+s14], $0x80, s4, s14, $0xb8;
	[tilespmem:$0x1C400] =	vst v63  }
0x25: {  	_ = 	snop  }
0x26: {  	[tilespmem:s16], [sflag:$0x2] =	stream.indirect.gather [hbm4b:s1+s14], $0x80, s14, s14, $0xb8;
	[tilespmem:$0x1C400] =	vst v63  }
0x27: {  	_ =	swait.ge [sflag:s17], $0x4000  }
0x28: {  	[sflag:s17] =	ssyncset.done $0x0  }
0x29: {  	[sflag:s17] =	ssyncadd.s32 $0xFFFFC000  }
0x2a: {  	[spmem:s3] =	stream.indirect.scatter.add.f32 [tilespmem:s15], [sflag:$0x3], $0x80, s13, s14, $0xb8;
	[tilespmem:$0x1C400] =	vst v63  }
0x2b: {  	_ =	swait.ge [sflag:s12], $0x4000  }
0x2c: {  	[sflag:s12] =	ssyncset.done $0x0  }
0x2d: {  	[sflag:s12] =	ssyncadd.s32 $0xFFFFC000  }
0x2e: {  	_ =	swait.ge [sflag:s18], $0x4000  }
0x2f: {  	[sflag:s18] =	ssyncset.done $0x0  }
0x30: {  	[sflag:s18] =	ssyncadd.s32 $0xFFFFC000  }
0x31: {  	[spmem:s3] =	stream.indirect.scatter.add.f32 [tilespmem:s16], [sflag:$0x3], $0x80, s19, s14, $0xb8;
	[tilespmem:$0x1C400] =	vst v63  }
0x32: {  	_ =	swait.ge [sflag:s12], $0x4000  }
0x33: {  	[sflag:s12] =	ssyncset.done $0x0  }
0x34: {  	[sflag:s12] =	ssyncadd.s32 $0xFFFFC000  }
0x35: {  	[tilespmem:s15], [sflag:$0x1] =	stream.indirect.gather [hbm4b:s1+s14], $0x80, s20, s14, $0xb8;
	[tilespmem:$0x1C400] =	vst v63  }
0x36: {  	_ = 	snop  }
0x37: {  	[tilespmem:s16], [sflag:$0x2] =	stream.indirect.gather [hbm4b:s1+s14], $0x80, s21, s14, $0xb8;
	[tilespmem:$0x1C400] =	vst v63  }
0x38: {  	_ =	swait.ge [sflag:s17], $0x4000  }
0x39: {  	[sflag:s17] =	ssyncset.done $0x0  }
0x3a: {  	[sflag:s17] =	ssyncadd.s32 $0xFFFFC000  }
0x3b: {  	[spmem:s3] =	stream.indirect.scatter.add.f32 [tilespmem:s15], [sflag:$0x3], $0x80, s22, s14, $0xb8;
	[tilespmem:$0x1C400] =	vst v63  }
0x3c: {  	_ =	swait.ge [sflag:s12], $0x4000  }
0x3d: {  	[sflag:s12] =	ssyncset.done $0x0  }
0x3e: {  	[sflag:s12] =	ssyncadd.s32 $0xFFFFC000  }
0x3f: {  	_ =	swait.ge [sflag:s18], $0x4000  }
0x40: {  	[sflag:s18] =	ssyncset.done $0x0  }
0x41: {  	[sflag:s18] =	ssyncadd.s32 $0xFFFFC000  }
0x42: {  	[spmem:s3] =	stream.indirect.scatter.add.f32 [tilespmem:s16], [sflag:$0x3], $0x80, s23, s14, $0xb8;
	[tilespmem:$0x1C400] =	vst v63  }
0x43: {  	_ =	swait.ge [sflag:s12], $0x4000  }
0x44: {  	[sflag:s12] =	ssyncset.done $0x0  }
0x45: {  	[sflag:s12] =	ssyncadd.s32 $0xFFFFC000  }
0x46: {  	[tilespmem:s15], [sflag:$0x1] =	stream.indirect.gather [hbm4b:s1+s14], $0x80, s24, s14, $0xb8;
	[tilespmem:$0x1C400] =	vst v63  }
0x47: {  	_ = 	snop  }
0x48: {  	[tilespmem:s16], [sflag:$0x2] =	stream.indirect.gather [hbm4b:s1+s14], $0x80, s25, s14, $0xb8;
	[tilespmem:$0x1C400] =	vst v63  }
0x49: {  	_ =	swait.ge [sflag:s17], $0x4000  }
0x4a: {  	[sflag:s17] =	ssyncset.done $0x0  }
0x4b: {  	[sflag:s17] =	ssyncadd.s32 $0xFFFFC000  }
0x4c: {  	[spmem:s3] =	stream.indirect.scatter.add.f32 [tilespmem:s15], [sflag:$0x3], $0x80, s26, s14, $0xb8;
	[tilespmem:$0x1C400] =	vst v63  }
0x4d: {  	_ =	swait.ge [sflag:s12], $0x4000  }
0x4e: {  	[sflag:s12] =	ssyncset.done $0x0  }
0x4f: {  	[sflag:s12] =	ssyncadd.s32 $0xFFFFC000  }
0x50: {  	_ =	swait.ge [sflag:s18], $0x4000  }
0x51: {  	[sflag:s18] =	ssyncset.done $0x0  }
0x52: {  	[sflag:s18] =	ssyncadd.s32 $0xFFFFC000  }
0x53: {  	[spmem:s3] =	stream.indirect.scatter.add.f32 [tilespmem:s16], [sflag:$0x3], $0x80, s28, s14, $0xb8;
	[tilespmem:$0x1C400] =	vst v63  }
0x54: {  	_ =	swait.ge [sflag:s12], $0x4000  }
0x55: {  	[sflag:s12] =	ssyncset.done $0x0  }
0x56: {  	[sflag:s12] =	ssyncadd.s32 $0xFFFFC000  }
0x57: {  	[tilespmem:s15], [sflag:$0x1] =	stream.indirect.gather [hbm4b:s1+s14], $0x80, s29, s14, $0xb8;
	[tilespmem:$0x1C400] =	vst v63  }
0x58: {  	_ = 	snop  }
0x59: {  	[tilespmem:s16], [sflag:$0x2] =	stream.indirect.gather [hbm4b:s1+s14], $0x80, s30, s14, $0xb8;
	[tilespmem:$0x1C400] =	vst v63  }
0x5a: {  	_ =	swait.ge [sflag:s17], $0x4000  }
0x5b: {  	[sflag:s17] =	ssyncset.done $0x0  }
0x5c: {  	[sflag:s17] =	ssyncadd.s32 $0xFFFFC000  }
0x5d: {  	[spmem:s3] =	stream.indirect.scatter.add.f32 [tilespmem:s15], [sflag:$0x3], $0x80, s31, s14, $0xb8;
	[tilespmem:$0x1C400] =	vst v63  }
0x5e: {  	_ =	swait.ge [sflag:s12], $0x4000  }
0x5f: {  	[sflag:s12] =	ssyncset.done $0x0  }
0x60: {  	[sflag:s12] =	ssyncadd.s32 $0xFFFFC000  }
0x61: {  	_ =	swait.ge [sflag:s18], $0x4000  }
0x62: {  	[sflag:s18] =	ssyncset.done $0x0  }
0x63: {  	[sflag:s18] =	ssyncadd.s32 $0xFFFFC000  }
0x64: {  	[spmem:s3] =	stream.indirect.scatter.add.f32 [tilespmem:s16], [sflag:$0x3], $0x80, s2, s14, $0xb8;
	[tilespmem:$0x1C400] =	vst v63  }
0x65: {  	_ =	swait.ge [sflag:s12], $0x4000  }
0x66: {  	s5 =	simm.s32 $0x80;
	s7 =	simm.s32 $0x100;
	[sflag:s12] =	ssyncset.done $0x0  }
.LBB2_2:
0x67: {  	s6 =	sadd.s32 s5, s10  }
0x68: {  	[sflag:s12] =	ssyncadd.s32 $0xFFFFC000;
	s11 =	smov.u32 s7;
	s8 =	sadd.s32 $0x80, s7  }
0x69: {  	[tilespmem:s4], [sflag:$0x3] =	stream.linear.gather [hbm4b:s6+s4], $0x400, $0x38;
	[tilespmem:$0x1C400] =	vst v63  }
0x6a: {  	p0 =	sne.s32 s7, $0x480;
	_ =	swait.ge [sflag:s12], $0x400  }
0x6b: {  	[sflag:s12] =	ssyncset.done $0x0  }
0x6c: {  	s6 =	sadd.s32 s5, s9;
	s5 =	smov.u32 s11;
	[sflag:s12] =	ssyncadd.s32 $0xFFFFFC00  }
0x6d: {  	[tilespmem:s13], [sflag:$0x3] =	stream.linear.gather [hbm4b:s6+s4], $0x400, $0x38;
	[tilespmem:$0x1C400] =	vst v63  }
0x6e: {  	_ =	swait.ge [sflag:s12], $0x400  }
0x6f: {  	[sflag:s12] =	ssyncset.done $0x0  }
0x70: {  	[sflag:s12] =	ssyncadd.s32 $0xFFFFFC00  }
0x71: {  	[tilespmem:s15], [sflag:$0x1] =	stream.indirect.gather [hbm4b:s1+s14], $0x80, s4, s14, $0xb8;
	[tilespmem:$0x1C400] =	vst v63  }
0x72: {  	_ = 	snop  }
0x73: {  	[tilespmem:s16], [sflag:$0x2] =	stream.indirect.gather [hbm4b:s1+s14], $0x80, s14, s14, $0xb8;
	[tilespmem:$0x1C400] =	vst v63  }
0x74: {  	_ =	swait.ge [sflag:s17], $0x4000  }
0x75: {  	[sflag:s17] =	ssyncset.done $0x0  }
0x76: {  	[sflag:s17] =	ssyncadd.s32 $0xFFFFC000  }
0x77: {  	[spmem:s3] =	stream.indirect.scatter.add.f32 [tilespmem:s15], [sflag:$0x3], $0x80, s13, s14, $0xb8;
	[tilespmem:$0x1C400] =	vst v63  }
0x78: {  	_ =	swait.ge [sflag:s12], $0x4000  }
0x79: {  	[sflag:s12] =	ssyncset.done $0x0  }
0x7a: {  	[sflag:s12] =	ssyncadd.s32 $0xFFFFC000  }
0x7b: {  	_ =	swait.ge [sflag:s18], $0x4000  }
0x7c: {  	[sflag:s18] =	ssyncset.done $0x0  }
0x7d: {  	[sflag:s18] =	ssyncadd.s32 $0xFFFFC000  }
0x7e: {  	[spmem:s3] =	stream.indirect.scatter.add.f32 [tilespmem:s16], [sflag:$0x3], $0x80, s19, s14, $0xb8;
	[tilespmem:$0x1C400] =	vst v63  }
0x7f: {  	_ =	swait.ge [sflag:s12], $0x4000  }
0x80: {  	[sflag:s12] =	ssyncset.done $0x0  }
0x81: {  	[sflag:s12] =	ssyncadd.s32 $0xFFFFC000  }
0x82: {  	[tilespmem:s15], [sflag:$0x1] =	stream.indirect.gather [hbm4b:s1+s14], $0x80, s20, s14, $0xb8;
	[tilespmem:$0x1C400] =	vst v63  }
0x83: {  	_ = 	snop  }
0x84: {  	[tilespmem:s16], [sflag:$0x2] =	stream.indirect.gather [hbm4b:s1+s14], $0x80, s21, s14, $0xb8;
	[tilespmem:$0x1C400] =	vst v63  }
0x85: {  	_ =	swait.ge [sflag:s17], $0x4000  }
0x86: {  	[sflag:s17] =	ssyncset.done $0x0  }
0x87: {  	[sflag:s17] =	ssyncadd.s32 $0xFFFFC000  }
0x88: {  	[spmem:s3] =	stream.indirect.scatter.add.f32 [tilespmem:s15], [sflag:$0x3], $0x80, s22, s14, $0xb8;
	[tilespmem:$0x1C400] =	vst v63  }
0x89: {  	_ =	swait.ge [sflag:s12], $0x4000  }
0x8a: {  	[sflag:s12] =	ssyncset.done $0x0  }
0x8b: {  	[sflag:s12] =	ssyncadd.s32 $0xFFFFC000  }
0x8c: {  	_ =	swait.ge [sflag:s18], $0x4000  }
0x8d: {  	[sflag:s18] =	ssyncset.done $0x0  }
0x8e: {  	[sflag:s18] =	ssyncadd.s32 $0xFFFFC000  }
0x8f: {  	[spmem:s3] =	stream.indirect.scatter.add.f32 [tilespmem:s16], [sflag:$0x3], $0x80, s23, s14, $0xb8;
	[tilespmem:$0x1C400] =	vst v63  }
0x90: {  	_ =	swait.ge [sflag:s12], $0x4000  }
0x91: {  	[sflag:s12] =	ssyncset.done $0x0  }
0x92: {  	[sflag:s12] =	ssyncadd.s32 $0xFFFFC000  }
0x93: {  	[tilespmem:s15], [sflag:$0x1] =	stream.indirect.gather [hbm4b:s1+s14], $0x80, s24, s14, $0xb8;
	[tilespmem:$0x1C400] =	vst v63  }
0x94: {  	_ = 	snop  }
0x95: {  	[tilespmem:s16], [sflag:$0x2] =	stream.indirect.gather [hbm4b:s1+s14], $0x80, s25, s14, $0xb8;
	[tilespmem:$0x1C400] =	vst v63  }
0x96: {  	_ =	swait.ge [sflag:s17], $0x4000  }
0x97: {  	[sflag:s17] =	ssyncset.done $0x0  }
0x98: {  	[sflag:s17] =	ssyncadd.s32 $0xFFFFC000  }
0x99: {  	[spmem:s3] =	stream.indirect.scatter.add.f32 [tilespmem:s15], [sflag:$0x3], $0x80, s26, s14, $0xb8;
	[tilespmem:$0x1C400] =	vst v63  }
0x9a: {  	_ =	swait.ge [sflag:s12], $0x4000  }
0x9b: {  	[sflag:s12] =	ssyncset.done $0x0  }
0x9c: {  	[sflag:s12] =	ssyncadd.s32 $0xFFFFC000  }
0x9d: {  	_ =	swait.ge [sflag:s18], $0x4000  }
0x9e: {  	[sflag:s18] =	ssyncset.done $0x0  }
0x9f: {  	[sflag:s18] =	ssyncadd.s32 $0xFFFFC000  }
0xa0: {  	[spmem:s3] =	stream.indirect.scatter.add.f32 [tilespmem:s16], [sflag:$0x3], $0x80, s28, s14, $0xb8;
	[tilespmem:$0x1C400] =	vst v63  }
0xa1: {  	_ =	swait.ge [sflag:s12], $0x4000  }
0xa2: {  	[sflag:s12] =	ssyncset.done $0x0  }
0xa3: {  	[sflag:s12] =	ssyncadd.s32 $0xFFFFC000  }
0xa4: {  	[tilespmem:s15], [sflag:$0x1] =	stream.indirect.gather [hbm4b:s1+s14], $0x80, s29, s14, $0xb8;
	[tilespmem:$0x1C400] =	vst v63  }
0xa5: {  	_ = 	snop  }
0xa6: {  	[tilespmem:s16], [sflag:$0x2] =	stream.indirect.gather [hbm4b:s1+s14], $0x80, s30, s14, $0xb8;
	[tilespmem:$0x1C400] =	vst v63  }
0xa7: {  	_ =	swait.ge [sflag:s17], $0x4000  }
0xa8: {  	[sflag:s17] =	ssyncset.done $0x0  }
0xa9: {  	[sflag:s17] =	ssyncadd.s32 $0xFFFFC000  }
0xaa: {  	[spmem:s3] =	stream.indirect.scatter.add.f32 [tilespmem:s15], [sflag:$0x3], $0x80, s31, s14, $0xb8;
	[tilespmem:$0x1C400] =	vst v63  }
0xab: {  	_ =	swait.ge [sflag:s12], $0x4000  }
0xac: {  	[sflag:s12] =	ssyncset.done $0x0  }
0xad: {  	[sflag:s12] =	ssyncadd.s32 $0xFFFFC000  }
0xae: {  	_ =	swait.ge [sflag:s18], $0x4000  }
.Ltmp0:
0xaf: {  	[sflag:s18] =	ssyncset.done $0x0;
	(pc) =	sbr.rel @p0 .LBB2_2-.Ltmp0, $4  }
0xb0: {  	[sflag:s18] =	ssyncadd.s32 $0xFFFFC000  }
0xb1: {  	[spmem:s3] =	stream.indirect.scatter.add.f32 [tilespmem:s16], [sflag:$0x3], $0x80, s2, s14, $0xb8;
	[tilespmem:$0x1C400] =	vst v63  }
0xb2: {  	_ =	swait.ge [sflag:s12], $0x4000  }
0xb3: {  	s7 =	smov.u32 s8;
	[sflag:s12] =	ssyncset.done $0x0  }
0xb4: {  	s6 =	sadd.s32 s5, s10;
	[sflag:s12] =	ssyncadd.s32 $0xFFFFC000  }
0xb5: {  	[tilespmem:s4], [sflag:$0x3] =	stream.linear.gather [hbm4b:s6+s4], $0x400, $0x38;
	[tilespmem:$0x1C400] =	vst v63  }
0xb6: {  	_ =	swait.ge [sflag:s12], $0x400  }
0xb7: {  	[sflag:s12] =	ssyncset.done $0x0  }
0xb8: {  	s7 =	sadd.s32 s5, s9;
	[sflag:s12] =	ssyncadd.s32 $0xFFFFFC00  }
0xb9: {  	[tilespmem:s13], [sflag:$0x3] =	stream.linear.gather [hbm4b:s7+s4], $0x400, $0x38;
	[tilespmem:$0x1C400] =	vst v63  }
0xba: {  	_ =	swait.ge [sflag:s12], $0x400  }
0xbb: {  	[sflag:s12] =	ssyncset.done $0x0  }
0xbc: {  	[sflag:s12] =	ssyncadd.s32 $0xFFFFFC00  }
0xbd: {  	[tilespmem:s15], [sflag:$0x1] =	stream.indirect.gather [hbm4b:s1+s14], $0x80, s4, s14, $0xb8;
	[tilespmem:$0x1C400] =	vst v63  }
0xbe: {  	_ = 	snop  }
0xbf: {  	[tilespmem:s16], [sflag:$0x2] =	stream.indirect.gather [hbm4b:s1+s14], $0x80, s14, s14, $0xb8;
	[tilespmem:$0x1C400] =	vst v63  }
0xc0: {  	_ =	swait.ge [sflag:s17], $0x4000  }
0xc1: {  	[sflag:s17] =	ssyncset.done $0x0  }
0xc2: {  	[sflag:s17] =	ssyncadd.s32 $0xFFFFC000  }
0xc3: {  	[spmem:s3] =	stream.indirect.scatter.add.f32 [tilespmem:s15], [sflag:$0x3], $0x80, s13, s14, $0xb8;
	[tilespmem:$0x1C400] =	vst v63  }
0xc4: {  	_ =	swait.ge [sflag:s12], $0x4000  }
0xc5: {  	[sflag:s12] =	ssyncset.done $0x0  }
0xc6: {  	[sflag:s12] =	ssyncadd.s32 $0xFFFFC000  }
0xc7: {  	_ =	swait.ge [sflag:s18], $0x4000  }
0xc8: {  	[sflag:s18] =	ssyncset.done $0x0  }
0xc9: {  	[sflag:s18] =	ssyncadd.s32 $0xFFFFC000  }
0xca: {  	[spmem:s3] =	stream.indirect.scatter.add.f32 [tilespmem:s16], [sflag:$0x3], $0x80, s19, s14, $0xb8;
	[tilespmem:$0x1C400] =	vst v63  }
0xcb: {  	_ =	swait.ge [sflag:s12], $0x4000  }
0xcc: {  	[sflag:s12] =	ssyncset.done $0x0  }
0xcd: {  	[sflag:s12] =	ssyncadd.s32 $0xFFFFC000  }
0xce: {  	[tilespmem:s15], [sflag:$0x1] =	stream.indirect.gather [hbm4b:s1+s14], $0x80, s20, s14, $0xb8;
	[tilespmem:$0x1C400] =	vst v63  }
0xcf: {  	_ = 	snop  }
0xd0: {  	[tilespmem:s16], [sflag:$0x2] =	stream.indirect.gather [hbm4b:s1+s14], $0x80, s21, s14, $0xb8;
	[tilespmem:$0x1C400] =	vst v63  }
0xd1: {  	_ =	swait.ge [sflag:s17], $0x4000  }
0xd2: {  	[sflag:s17] =	ssyncset.done $0x0  }
0xd3: {  	[sflag:s17] =	ssyncadd.s32 $0xFFFFC000  }
0xd4: {  	[spmem:s3] =	stream.indirect.scatter.add.f32 [tilespmem:s15], [sflag:$0x3], $0x80, s22, s14, $0xb8;
	[tilespmem:$0x1C400] =	vst v63  }
0xd5: {  	_ =	swait.ge [sflag:s12], $0x4000  }
0xd6: {  	[sflag:s12] =	ssyncset.done $0x0  }
0xd7: {  	[sflag:s12] =	ssyncadd.s32 $0xFFFFC000  }
0xd8: {  	_ =	swait.ge [sflag:s18], $0x4000  }
0xd9: {  	[sflag:s18] =	ssyncset.done $0x0  }
0xda: {  	[sflag:s18] =	ssyncadd.s32 $0xFFFFC000  }
0xdb: {  	[spmem:s3] =	stream.indirect.scatter.add.f32 [tilespmem:s16], [sflag:$0x3], $0x80, s23, s14, $0xb8;
	[tilespmem:$0x1C400] =	vst v63  }
0xdc: {  	_ =	swait.ge [sflag:s12], $0x4000  }
0xdd: {  	[sflag:s12] =	ssyncset.done $0x0  }
0xde: {  	[sflag:s12] =	ssyncadd.s32 $0xFFFFC000  }
0xdf: {  	[tilespmem:s15], [sflag:$0x1] =	stream.indirect.gather [hbm4b:s1+s14], $0x80, s24, s14, $0xb8;
	[tilespmem:$0x1C400] =	vst v63  }
0xe0: {  	_ = 	snop  }
0xe1: {  	[tilespmem:s16], [sflag:$0x2] =	stream.indirect.gather [hbm4b:s1+s14], $0x80, s25, s14, $0xb8;
	[tilespmem:$0x1C400] =	vst v63  }
0xe2: {  	_ =	swait.ge [sflag:s17], $0x4000  }
0xe3: {  	[sflag:s17] =	ssyncset.done $0x0  }
0xe4: {  	[sflag:s17] =	ssyncadd.s32 $0xFFFFC000  }
0xe5: {  	[spmem:s3] =	stream.indirect.scatter.add.f32 [tilespmem:s15], [sflag:$0x3], $0x80, s26, s14, $0xb8;
	[tilespmem:$0x1C400] =	vst v63  }
0xe6: {  	_ =	swait.ge [sflag:s12], $0x4000  }
0xe7: {  	[sflag:s12] =	ssyncset.done $0x0  }
0xe8: {  	[sflag:s12] =	ssyncadd.s32 $0xFFFFC000  }
0xe9: {  	_ =	swait.ge [sflag:s18], $0x4000  }
0xea: {  	[sflag:s18] =	ssyncset.done $0x0  }
0xeb: {  	[sflag:s18] =	ssyncadd.s32 $0xFFFFC000  }
0xec: {  	[spmem:s3] =	stream.indirect.scatter.add.f32 [tilespmem:s16], [sflag:$0x3], $0x80, s28, s14, $0xb8;
	[tilespmem:$0x1C400] =	vst v63  }
0xed: {  	_ =	swait.ge [sflag:s12], $0x4000  }
0xee: {  	[sflag:s12] =	ssyncset.done $0x0  }
0xef: {  	[sflag:s12] =	ssyncadd.s32 $0xFFFFC000  }
0xf0: {  	[tilespmem:s15], [sflag:$0x1] =	stream.indirect.gather [hbm4b:s1+s14], $0x80, s29, s14, $0xb8;
	[tilespmem:$0x1C400] =	vst v63  }
0xf1: {  	_ = 	snop  }
0xf2: {  	[tilespmem:s16], [sflag:$0x2] =	stream.indirect.gather [hbm4b:s1+s14], $0x80, s30, s14, $0xb8;
	[tilespmem:$0x1C400] =	vst v63  }
0xf3: {  	_ =	swait.ge [sflag:s17], $0x4000  }
0xf4: {  	[sflag:s17] =	ssyncset.done $0x0  }
0xf5: {  	[sflag:s17] =	ssyncadd.s32 $0xFFFFC000  }
0xf6: {  	[spmem:s3] =	stream.indirect.scatter.add.f32 [tilespmem:s15], [sflag:$0x3], $0x80, s31, s14, $0xb8;
	[tilespmem:$0x1C400] =	vst v63  }
0xf7: {  	_ =	swait.ge [sflag:s12], $0x4000  }
0xf8: {  	[sflag:s12] =	ssyncset.done $0x0  }
0xf9: {  	[sflag:s12] =	ssyncadd.s32 $0xFFFFC000  }
0xfa: {  	_ =	swait.ge [sflag:s18], $0x4000  }
0xfb: {  	[sflag:s18] =	ssyncset.done $0x0  }
0xfc: {  	[sflag:s18] =	ssyncadd.s32 $0xFFFFC000  }
0xfd: {  	[spmem:s3] =	stream.indirect.scatter.add.f32 [tilespmem:s16], [sflag:$0x3], $0x80, s2, s14, $0xb8;
	[tilespmem:$0x1C400] =	vst v63  }
0xfe: {  	_ =	swait.ge [sflag:s12], $0x4000  }
0xff: {  	[sflag:s12] =	ssyncset.done $0x0  }
0x100: {  	[sflag:s12] =	ssyncadd.s32 $0xFFFFC000  }
0x101: {  	[bflag:$0x0] =	sbarrier.arrive $0xFFFF  }
0x102: {  	s6 =	rddreg [dreg:$0x5]  }
0x103: {  	s8 =	rddreg [dreg:$0x6]  }
0x104: {  	s7 =	rddreg [dreg:$0x8]  }
0x105: {  	[hbm:s8], [sflag:s6] =	dma.local [spmem:s7], $0x2780  }
0x106: {  	_ =	swait.ge [sflag:s12], $0x2780  }
0x107: {  	s0 =	sadd.s32 $0x1, s0;
	s11 =	rddreg [dreg:$0x7]  }
0x108: {  	p0 =	sne.s32 s0, s11  }
.Ltmp1:
0x109: {  	_ = 	snop;
	(pc) =	sbr.rel @p0 .LBB2_1-.Ltmp1, $3  }
0x10a: {  	_ =	sdelay $0x1  }
0x10b: {  	[sflag:s12] =	ssyncset.done $0x0  }
0x10c: {  	[sflag:s12] =	ssyncadd.s32 $0xFFFFD880  }
0x10d: {  	_ =	sfence.sel $0x180000  }
0x10e: {  	[bflag:$0x0] =	sbarrier.arrive $0xFFFF  }
0x10f: {  	_ =	strace $0x9000004A  }
0x110: {  	s0 =	stileid.u32;
	[bflag:$0x2] =	sbarrier.arrive $0xFFFF  }
0x111: {  	p0 =	sne.s32 s0, $0x0;
	s0 =	rddreg [dreg:$0x3]  }
0x112: {  	s0 =	sadd.s32 @!p0 $0x100000, s0  }
0x113: {  	[sflag:s0] =	ssyncadd.tile.s32 @!p0 $0x1;
	_ =	shalt  }
.Lfunc_end2:
_tile_overlayer_lowered:
.L_overlay_start_2:
0x114: {  	(tag) =	ssettag $0x2  }
0x115: {  	s0 =	rddreg [dreg:$0x0];
	s2 =	stileid.u32  }
0x116: {  	s1 =	rddreg [dreg:$0x1];
	p0 =	sne.s32 s2, $0x0  }
0x117: {  	s3 =	rddreg [dreg:$0x2];
	[bflag:$0x3] =	sbarrier.arrive $0xFFFF;
	s2 =	simm.s32 @!p0 $0x1C03  }
0x118: {  	[timem:s3], [sflag:s2] =	dma.local @!p0 [hbm:s0], s1  }
0x119: {  	s0 =	simm.s32 @!p0 $0x3  }
0x11a: {  	_ =	swait.ge @!p0 [sflag:s0], s1  }
0x11b: {  	s1 =	ssub.s32 @!p0 $0x0, s1;
	[sflag:s0] =	ssyncset.done @!p0 $0x0  }
0x11c: {  	[sflag:s0] =	ssyncadd.s32 @!p0 s1  }
0x11d: {  	[bflag:$0x3] =	sbarrier.arrive $0xFFFF  }
0x11e: {  	_ =	shalt  }

// kernel: sc_agg.7.cloned.1.call-start
scs
__scs_entry_jumppad:
0x0: {  	(pc) =	sbr.rel $0x88, $3  }
0x1: {  	(tag) =	ssettag $0x0;
	lr =	simm.s32 $0x1  }
0x2: {  	[smem:$0x3F99] =	sst lr;
	_ =	strace $0xD0000000  }
0x3: {  	_ = 	snop  }
0x4: {  	_ = 	snop  }
0x5: {  	_ = 	snop  }
0x6: {  	_ = 	snop  }
0x7: {  	_ = 	snop  }
__scs_overlays_trampoline_lowered:
0x8: {  	[smem:$0x3FA8] =	sst s0  }
0x9: {  	[smem:$0x3FA9] =	sst s1  }
0xa: {  	[smem:$0x3FAA] =	sst s2  }
0xb: {  	[smem:$0x3FAB] =	sst s3  }
0xc: {  	[smem:$0x3FAC] =	sst s4  }
0xd: {  	[smem:$0x3FAD] =	sst s5  }
0xe: {  	[smem:$0x3FAE] =	sst s6  }
0xf: {  	[smem:$0x3FAF] =	sst s7  }
0x10: {  	[smem:$0x3FB0] =	sst s8  }
0x11: {  	[smem:$0x3FB1] =	sst s9;
	s0 =	simm.s32 @!p0 $0x0  }
0x12: {  	s1 =	sld [smem:$0x3F97];
	s0 =	simm.s32 @p0 $0x1  }
0x13: {  	[smem:$0x3FB2] =	sst s0;
	s0 =	simm.s32 @!p1 $0x0  }
0x14: {  	s2 =	sld [smem:$0x3F96];
	s0 =	simm.s32 @p1 $0x1  }
0x15: {  	[smem:$0x3FB3] =	sst s0;
	s0 =	simm.s32 @!p2 $0x0  }
0x16: {  	s3 =	sld [smem:$0x3FDB];
	s0 =	simm.s32 @p2 $0x1  }
0x17: {  	s4 =	simm.s32 $0x1BF5;
	[smem:$0x3FB5] =	sst s0  }
0x18: {  	s0 =	sld [smem:$0x3F98];
	_ =	swait.ge [sflag:s4], $0x0  }
0x19: {  	s7 =	sld [smem:$0x3F99]  }
0x1a: {  	s8 =	sadd.s32 $0xFFFFE003, lr  }
0x1b: {  	s9 =	sadd.s32 $0xFFFFFEF7, lr;
	s5 =	simm.s32 $0xFFFFFFFF;
	p2 =	slt.u32 s8, $0xFFFFF086  }
0x1c: {  	p1 =	slt.u32 s9, $0xF7A;
	s5 =	simm.s32 @!p2 $0x0  }
0x1d: {  	s5 =	simm.s32 @p1 $0x1;
	p0 =	seq.s32 s7, s2  }
0x1e: {  	s7 =	smul.u32 @!p0 $0xF7A, s2;
	p2 =	seq.s32 @!p0 s5, $0x0  }
0x1f: {  	s9 =	smul.u32 $0xF7A, s1;
	s8 =	simm.s32 @!p0 $0x1BF5;
	p2 =	por !p2, p0  }
0x20: {  	[sflag:s8] =	ssyncset.s32 @!p0 $0xFFFFF086;
	s6 =	sadd.s32 @!p0 s3, s7;
	s7 =	simm.s32 @!p0 $0x108  }
0x21: {  	s3 =	sadd.s32 s3, s9;
	s6 =	sadd.s32 @!p0 $0x88, s6;
	s7 =	simm.s32 @p2 $0x1082  }
0x22: {  	[simem:s7], [sflag:s8] =	dma.local @!p0 [hbm:s6], $0xF7A  }
0x23: {  	s9 =	sor.u32 $0xD0000000, s2;
	s6 =	simm.s32 $0x108;
	_ =	swait.ge @!p0 [sflag:s8], $0x0  }
0x24: {  	s3 =	sadd.s32 $0x88, s3;
	s6 =	simm.s32 @!p1 $0x1082;
	[sflag:s4] =	ssyncset.s32 $0xFFFFF086  }
0x25: {  	[simem:s6], [sflag:s4] =	dma.local [hbm:s3], $0xF7A  }
0x26: {  	[smem:$0x3F99] =	sst s1;
	(tag) =	ssettag s2;
	_ =	strace s9  }
0x27: {  	s1 =	sld [smem:$0x3FA9]  }
0x28: {  	s2 =	sld [smem:$0x3FAA]  }
0x29: {  	s4 =	sld [smem:$0x3FAC]  }
0x2a: {  	p0 =	seq.s32 s5, $0x0;
	s5 =	sld [smem:$0x3FAD]  }
0x2b: {  	s6 =	sld [smem:$0x3FAE]  }
0x2c: {  	s7 =	sld [smem:$0x3FAF]  }
0x2d: {  	s3 =	simm.s32 $0x108;
	s8 =	sld [smem:$0x3FB0]  }
0x2e: {  	s3 =	simm.s32 @!p0 $0x1082;
	s9 =	sld [smem:$0x3FB1]  }
0x2f: {  	lr =	sadd.s32 s0, s3;
	s0 =	sld [smem:$0x3FA8]  }
0x30: {  	s3 =	sld [smem:$0x3FAB]  }
0x31: {  	[smem:$0x3FB4] =	sst s10  }
0x32: {  	s10 =	sld [smem:$0x3FB2];
	_ =	sdelay $0x3  }
0x33: {  	p0 =	seq.s32 s10, $0x1;
	s10 =	sld [smem:$0x3FB4];
	_ =	sdelay $0x3  }
0x34: {  	[smem:$0x3FB4] =	sst s10  }
0x35: {  	s10 =	sld [smem:$0x3FB3];
	_ =	sdelay $0x3  }
0x36: {  	p1 =	seq.s32 s10, $0x1;
	s10 =	sld [smem:$0x3FB4];
	_ =	sdelay $0x3  }
0x37: {  	[smem:$0x3FB4] =	sst s10  }
0x38: {  	s10 =	sld [smem:$0x3FB5]  }
0x39: {  	_ = 	snop;
	(pc) =	sbr.ind lr, $3  }
0x3a: {  	_ = 	snop  }
0x3b: {  	_ = 	snop  }
0x3c: {  	p2 =	seq.s32 s10, $0x1;
	s10 =	sld [smem:$0x3FB4]  }
0x3d: {  	_ =	shalt  }
0x3e: {  	_ =	shalt  }
0x3f: {  	_ =	shalt  }
0x40: {  	_ =	shalt  }
0x41: {  	_ =	shalt  }
0x42: {  	_ =	shalt  }
0x43: {  	_ =	shalt  }
0x44: {  	_ =	shalt  }
0x45: {  	_ =	shalt  }
0x46: {  	_ =	shalt  }
0x47: {  	_ =	shalt  }
0x48: {  	_ =	shalt  }
0x49: {  	_ =	shalt  }
0x4a: {  	_ =	shalt  }
0x4b: {  	_ =	shalt  }
0x4c: {  	_ =	shalt  }
0x4d: {  	_ =	shalt  }
0x4e: {  	_ =	shalt  }
0x4f: {  	_ =	shalt  }
0x50: {  	_ =	shalt  }
0x51: {  	_ =	shalt  }
0x52: {  	_ =	shalt  }
0x53: {  	_ =	shalt  }
0x54: {  	_ =	shalt  }
0x55: {  	_ =	shalt  }
0x56: {  	_ =	shalt  }
0x57: {  	_ =	shalt  }
0x58: {  	_ =	shalt  }
0x59: {  	_ =	shalt  }
0x5a: {  	_ =	shalt  }
0x5b: {  	_ =	shalt  }
0x5c: {  	_ =	shalt  }
0x5d: {  	_ =	shalt  }
0x5e: {  	_ =	shalt  }
0x5f: {  	_ =	shalt  }
0x60: {  	_ =	shalt  }
0x61: {  	_ =	shalt  }
0x62: {  	_ =	shalt  }
0x63: {  	_ =	shalt  }
0x64: {  	_ =	shalt  }
0x65: {  	_ =	shalt  }
0x66: {  	_ =	shalt  }
0x67: {  	_ =	shalt  }
0x68: {  	_ =	shalt  }
0x69: {  	_ =	shalt  }
0x6a: {  	_ =	shalt  }
0x6b: {  	_ =	shalt  }
0x6c: {  	_ =	shalt  }
0x6d: {  	_ =	shalt  }
0x6e: {  	_ =	shalt  }
0x6f: {  	_ =	shalt  }
0x70: {  	_ =	shalt  }
0x71: {  	_ =	shalt  }
0x72: {  	_ =	shalt  }
0x73: {  	_ =	shalt  }
0x74: {  	_ =	shalt  }
0x75: {  	_ =	shalt  }
0x76: {  	_ =	shalt  }
0x77: {  	_ =	shalt  }
0x78: {  	_ =	shalt  }
0x79: {  	_ =	shalt  }
0x7a: {  	_ =	shalt  }
0x7b: {  	_ =	shalt  }
0x7c: {  	_ =	shalt  }
0x7d: {  	_ =	shalt  }
0x7e: {  	_ =	shalt  }
0x7f: {  	_ =	shalt  }
0x80: {  	_ =	shalt  }
0x81: {  	_ =	shalt  }
0x82: {  	_ =	shalt  }
0x83: {  	_ =	shalt  }
0x84: {  	_ =	shalt  }
0x85: {  	_ =	shalt  }
0x86: {  	_ =	shalt  }
0x87: {  	_ =	shalt  }
.Lfunc_end0:
.L_simem_size_0:
called_computation.2_lowered:
.L_overlay_start_0:
0x88: {  	s2 =	sld [smem:$0x3FD9]  }
0x89: {  	s3 =	sld [smem:$0x3FFE];
	_ =	sdelay $0x1  }
0x8a: {  	s1 =	srdreg.scid  }
0x8b: {  	s0 =	sand.u32 $0x1, s1  }
0x8c: {  	s17 =	sshll.u32 s0, $0xA;
	s2 =	sadd.s32 s3, s2  }
0x8d: {  	s2 =	sadd.s32 s2, s17  }
0x8e: {  	[smem:$0x3FC0] =	sst s2  }
0x8f: {  	_ = 	snop  }
0x90: {  	s2 =	sld [smem:$0x3FD0];
	(tm) =	ssettm $0x1  }
0x91: {  	s18 =	sld [smem:$0x3FFB];
	_ =	sdelay $0x3  }
0x92: {  	_ =	strace s18  }
0x93: {  	s3 =	sld [smem:$0x3FFC];
	_ =	sdelay $0x3  }
0x94: {  	_ =	strace s3  }
0x95: {  	s3 =	sld [smem:$0x3FFD];
	_ =	sdelay $0x3  }
0x96: {  	_ =	strace s3  }
0x97: {  	_ =	strace $0x8FFFFFFF  }
0x98: {  	s19 =	sld [smem:$0x3FDB];
	_ =	sdelay $0x1  }
0x99: {  	s4 =	simm.s32 $_scs_section_size  }
0x9a: {  	s5 =	simm.s32 $_size__tile_overlayer_lowered;
	s6 =	simm.s32 $_tile_overlayer_lowered  }
0x9b: {  	s22 =	simm.s32 $0x1BFF;
	s21 =	sshll.u32 s6, $0x1;
	s3 =	sadd.s32 s4, s19  }
0x9c: {  	s7 =	simm.s32 $0x0;
	s20 =	sshll.u32 s5, $0x1;
	s5 =	sadd.s32 s21, s3  }
0x9d: {  	[timem:s7], [sflag:s22] =	dma.local [hbm:s5], s20  }
0x9e: {  	_ =	swait.ge [sflag:s22], s20  }
0x9f: {  	s4 =	ssub.s32 $0x0, s20;
	[sflag:s22] =	ssyncset.done $0x0  }
0xa0: {  	[sflag:s22] =	ssyncadd.s32 s4;
	_ =	sdelay $0x1  }
0xa1: {  	s23 =	simm.s32 $0x1B8B  }
0xa2: {  	_ =	swait.ge [sflag:s23], $0x1  }
0xa3: {  	[sflag:s23] =	ssyncset.done $0x0  }
0xa4: {  	s25 =	simm.s32 $0x1B8E;
	s24 =	sld [smem:$0x3FFE];
	[sflag:s23] =	ssyncadd.s32 $0xFFFFFFFF  }
0xa5: {  	s26 =	simm.s32 $execute0_lowered;
	[smem:$0x3FD2] =	sst s25  }
0xa6: {  	s5 =	sshll.u32 s26, $0x1;
	_ =	strace $0x8000004C;
	[dreg:$0x1] =	wrdreg $0xFFFFFFFF  }
0xa7: {  	s28 =	simm.s32 $_size_execute0_lowered;
	s3 =	sadd.s32 s3, s5;
	[dreg:$0x0] =	wrdreg $0x0  }
0xa8: {  	s5 =	sshll.u32 s28, $0x1;
	[dreg:$0x2] =	wrdreg s3  }
0xa9: {  	[dreg:$0x3] =	wrdreg s5  }
0xaa: {  	[dreg:$0x4] =	wrdreg $0xC0  }
0xab: {  	_ =	task [dreg:s7], $0x5FFFF  }
0xac: {  	[dreg:$0x1] =	wrdreg $0xFFFFFFFF  }
0xad: {  	[dreg:$0x0] =	wrdreg $0x60  }
0xae: {  	[dreg:$0x2] =	wrdreg s2  }
0xaf: {  	[dreg:$0x3] =	wrdreg s24  }
0xb0: {  	[dreg:$0x4] =	wrdreg $0x88000  }
0xb1: {  	[dreg:$0x5] =	wrdreg $0x9  }
0xb2: {  	_ =	task.clear_ibuf [dreg:s7], $0x6FFFF;
	_ =	strace $0x9000004C  }
0xb3: {  	s29 =	simm.s32 $0x9;
	_ =	strace $0x8000004E  }
0xb4: {  	_ =	swait.ge [sflag:s29], $0x1  }
0xb5: {  	[sflag:s29] =	ssyncadd.s32 $0xFFFFFFFF  }
0xb6: {  	_ =	strace $0x9000004E  }
0xb7: {  	_ =	sfence  }
0xb8: {  	s30 =	sld [smem:$0x0];
	_ =	sdelay $0x2  }
0xb9: {  	s31 =	sshll.u32 s1, $0xD;
	s1 =	sshrl.u32 s1, $0x2  }
0xba: {  	s3 =	sand.u32 $0x4000, s31;
	s1 =	sadd.s32 s1, s30  }
0xbb: {  	s0 =	sor.u32 s3, s0;
	s1 =	sshll.u32 s1, $0x11  }
0xbc: {  	s0 =	sor.u32 s1, s0  }
0xbd: {  	s0 =	sadd.s32 $0x8F2B, s0  }
0xbe: {  	[sflag:s0] =	ssyncadd.remote.s32 $0x1  }
0xbf: {  	_ =	sfence.sel $0xFFFF  }
0xc0: {  	[dreg:$0x0] =	wrdreg $0xFFFFFFFF;
	(pc) =	sbr.abs _section_cstart, $3  }
0xc1: {  	[dreg:$0x1] =	wrdreg $0xFFFFFFFF  }
0xc2: {  	_ =	task.clear_ibuf [dreg:s7], $0x2FFFF;
	_ =	strace $0x9FFFFFFF  }
0xc3: {  	(tm) =	ssettm $0x7FFFFFFF  }
tec
execute0_lowered:
.L_overlay_start_1:
0x0: {  	(tag) =	ssettag $0x1  }
0x1: {  	s1 =	rddreg [dreg:$0x0];
	s0 =	srdreg.scid  }
0x2: {  	s10 =	stileid.u32;
	s2 =	rddreg [dreg:$0x1]  }
0x3: {  	s3 =	rddreg [dreg:$0x2];
	s4 =	simm.s32 $0x0;
	s12 =	simm.s32 $0x3  }
0x4: {  	s13 =	simm.s32 $0x400;
	s14 =	simm.s32 $0x80;
	s15 =	simm.s32 $0x800  }
0x5: {  	s16 =	simm.s32 $0x4800;
	s17 =	simm.s32 $0x1;
	s18 =	simm.s32 $0x2  }
0x6: {  	s19 =	simm.s32 $0x480;
	s20 =	simm.s32 $0x100;
	s5 =	smul.u32 $0x5000, s10  }
0x7: {  	s21 =	simm.s32 $0x180;
	s28 =	simm.s32 $0x680;
	s22 =	smul.u32 $0x13C00, s10  }
0x8: {  	s29 =	simm.s32 $0x300;
	s0 =	sand.u32 $0x1, s0;
	s23 =	smul.u32 $0x4F000, s10  }
0x9: {  	s30 =	simm.s32 $0x380;
	s31 =	simm.s32 $0x700;
	s6 =	smul.u32 $0x2800, s0  }
0xa: {  	[smem:$0x7FF] =	sst s4;
	s26 =	sshll.u32 s10, $0x6;
	s7 =	smul.u32 $0x13C000, s0  }
0xb: {  	_ =	strace $0x8000004D;
	s0 =	ssub.s32 $0x2, s0;
	s8 =	sshrl.u32 s22, $0x3  }
0xc: {  	s9 =	sshrl.u32 s0, $0x1;
	s24 =	sshrl.u32 s23, $0x2;
	s23 =	simm.s32 $0x580  }
0xd: {  	s5 =	sadd.s32 s6, s5;
	s6 =	sadd.s32 s22, s7;
	s8 =	sadd.s32 s8, s2  }
0xe: {  	s0 =	ssub.s32 s0, s9;
	s7 =	sadd.s32 s24, s3;
	s22 =	simm.s32 $0x500  }
0xf: {  	s24 =	simm.s32 $0x200;
	s5 =	sshrl.u32 s5, $0x3;
	s6 =	sshrl.u32 s6, $0x3  }
0x10: {  	s25 =	sadd.s32 $0x1F400, s8;
	s0 =	smax.u32 s0, $0x1;
	s7 =	sshrl.u32 s7, $0x3  }
0x11: {  	s5 =	sadd.s32 s5, s2;
	s2 =	sadd.s32 s6, s2;
	[dreg:$0x4] =	wrdreg s25  }
0x12: {  	s6 =	sor.u32 $0x1C03, s26;
	[dreg:$0x7] =	wrdreg s0;
	s25 =	simm.s32 $0x280  }
0x13: {  	s26 =	simm.s32 $0x600;
	s0 =	simm.s32 $0x0;
	[dreg:$0x8] =	wrdreg s7  }
0x14: {  	s2 =	sadd.s32 $0x46C00, s2;
	s9 =	sadd.s32 $0xAE00, s5;
	[dreg:$0x5] =	wrdreg s6  }
0x15: {  	s10 =	sadd.s32 $0x14E00, s5;
	[dreg:$0x6] =	wrdreg s2;
	s2 =	simm.s32 $0x780  }
.LBB2_1:
0x16: {  	s5 =	rddreg [dreg:$0x4]  }
0x17: {  	[spmem:s7], [sflag:s6] =	dma.local [hbm:s5], $0x2780  }
0x18: {  	_ =	swait.ge [sflag:s12], $0x2780  }
0x19: {  	[sflag:s12] =	ssyncset.done $0x0  }
0x1a: {  	[sflag:s12] =	ssyncadd.s32 $0xFFFFD880  }
0x1b: {  	s8 =	sadd.s32 $0x0, s10;
	[bflag:$0x0] =	sbarrier.arrive $0xFFFF  }
0x1c: {  	[tilespmem:s4], [sflag:$0x3] =	stream.linear.gather [hbm4b:s8+s4], $0x400, $0x38;
	[tilespmem:$0x1C400] =	vst v63  }
0x1d: {  	_ =	swait.ge [sflag:s12], $0x400  }
0x1e: {  	[sflag:s12] =	ssyncset.done $0x0  }
0x1f: {  	s11 =	sadd.s32 $0x0, s9;
	[sflag:s12] =	ssyncadd.s32 $0xFFFFFC00  }
0x20: {  	[tilespmem:s13], [sflag:$0x3] =	stream.linear.gather [hbm4b:s11+s4], $0x400, $0x38;
	[tilespmem:$0x1C400] =	vst v63  }
0x21: {  	_ =	swait.ge [sflag:s12], $0x400  }
0x22: {  	[sflag:s12] =	ssyncset.done $0x0  }
0x23: {  	[sflag:s12] =	ssyncadd.s32 $0xFFFFFC00  }
0x24: {  	[tilespmem:s15], [sflag:$0x1] =	stream.indirect.gather [hbm4b:s1+s14], $0x80, s4, s14, $0xb8;
	[tilespmem:$0x1C400] =	vst v63  }
0x25: {  	_ = 	snop  }
0x26: {  	[tilespmem:s16], [sflag:$0x2] =	stream.indirect.gather [hbm4b:s1+s14], $0x80, s14, s14, $0xb8;
	[tilespmem:$0x1C400] =	vst v63  }
0x27: {  	_ =	swait.ge [sflag:s17], $0x4000  }
0x28: {  	[sflag:s17] =	ssyncset.done $0x0  }
0x29: {  	[sflag:s17] =	ssyncadd.s32 $0xFFFFC000  }
0x2a: {  	[spmem:s3] =	stream.indirect.scatter.add.f32 [tilespmem:s15], [sflag:$0x3], $0x80, s13, s14, $0xb8;
	[tilespmem:$0x1C400] =	vst v63  }
0x2b: {  	_ =	swait.ge [sflag:s12], $0x4000  }
0x2c: {  	[sflag:s12] =	ssyncset.done $0x0  }
0x2d: {  	[sflag:s12] =	ssyncadd.s32 $0xFFFFC000  }
0x2e: {  	_ =	swait.ge [sflag:s18], $0x4000  }
0x2f: {  	[sflag:s18] =	ssyncset.done $0x0  }
0x30: {  	[sflag:s18] =	ssyncadd.s32 $0xFFFFC000  }
0x31: {  	[spmem:s3] =	stream.indirect.scatter.add.f32 [tilespmem:s16], [sflag:$0x3], $0x80, s19, s14, $0xb8;
	[tilespmem:$0x1C400] =	vst v63  }
0x32: {  	_ =	swait.ge [sflag:s12], $0x4000  }
0x33: {  	[sflag:s12] =	ssyncset.done $0x0  }
0x34: {  	[sflag:s12] =	ssyncadd.s32 $0xFFFFC000  }
0x35: {  	[tilespmem:s15], [sflag:$0x1] =	stream.indirect.gather [hbm4b:s1+s14], $0x80, s20, s14, $0xb8;
	[tilespmem:$0x1C400] =	vst v63  }
0x36: {  	_ = 	snop  }
0x37: {  	[tilespmem:s16], [sflag:$0x2] =	stream.indirect.gather [hbm4b:s1+s14], $0x80, s21, s14, $0xb8;
	[tilespmem:$0x1C400] =	vst v63  }
0x38: {  	_ =	swait.ge [sflag:s17], $0x4000  }
0x39: {  	[sflag:s17] =	ssyncset.done $0x0  }
0x3a: {  	[sflag:s17] =	ssyncadd.s32 $0xFFFFC000  }
0x3b: {  	[spmem:s3] =	stream.indirect.scatter.add.f32 [tilespmem:s15], [sflag:$0x3], $0x80, s22, s14, $0xb8;
	[tilespmem:$0x1C400] =	vst v63  }
0x3c: {  	_ =	swait.ge [sflag:s12], $0x4000  }
0x3d: {  	[sflag:s12] =	ssyncset.done $0x0  }
0x3e: {  	[sflag:s12] =	ssyncadd.s32 $0xFFFFC000  }
0x3f: {  	_ =	swait.ge [sflag:s18], $0x4000  }
0x40: {  	[sflag:s18] =	ssyncset.done $0x0  }
0x41: {  	[sflag:s18] =	ssyncadd.s32 $0xFFFFC000  }
0x42: {  	[spmem:s3] =	stream.indirect.scatter.add.f32 [tilespmem:s16], [sflag:$0x3], $0x80, s23, s14, $0xb8;
	[tilespmem:$0x1C400] =	vst v63  }
0x43: {  	_ =	swait.ge [sflag:s12], $0x4000  }
0x44: {  	[sflag:s12] =	ssyncset.done $0x0  }
0x45: {  	[sflag:s12] =	ssyncadd.s32 $0xFFFFC000  }
0x46: {  	[tilespmem:s15], [sflag:$0x1] =	stream.indirect.gather [hbm4b:s1+s14], $0x80, s24, s14, $0xb8;
	[tilespmem:$0x1C400] =	vst v63  }
0x47: {  	_ = 	snop  }
0x48: {  	[tilespmem:s16], [sflag:$0x2] =	stream.indirect.gather [hbm4b:s1+s14], $0x80, s25, s14, $0xb8;
	[tilespmem:$0x1C400] =	vst v63  }
0x49: {  	_ =	swait.ge [sflag:s17], $0x4000  }
0x4a: {  	[sflag:s17] =	ssyncset.done $0x0  }
0x4b: {  	[sflag:s17] =	ssyncadd.s32 $0xFFFFC000  }
0x4c: {  	[spmem:s3] =	stream.indirect.scatter.add.f32 [tilespmem:s15], [sflag:$0x3], $0x80, s26, s14, $0xb8;
	[tilespmem:$0x1C400] =	vst v63  }
0x4d: {  	_ =	swait.ge [sflag:s12], $0x4000  }
0x4e: {  	[sflag:s12] =	ssyncset.done $0x0  }
0x4f: {  	[sflag:s12] =	ssyncadd.s32 $0xFFFFC000  }
0x50: {  	_ =	swait.ge [sflag:s18], $0x4000  }
0x51: {  	[sflag:s18] =	ssyncset.done $0x0  }
0x52: {  	[sflag:s18] =	ssyncadd.s32 $0xFFFFC000  }
0x53: {  	[spmem:s3] =	stream.indirect.scatter.add.f32 [tilespmem:s16], [sflag:$0x3], $0x80, s28, s14, $0xb8;
	[tilespmem:$0x1C400] =	vst v63  }
0x54: {  	_ =	swait.ge [sflag:s12], $0x4000  }
0x55: {  	[sflag:s12] =	ssyncset.done $0x0  }
0x56: {  	[sflag:s12] =	ssyncadd.s32 $0xFFFFC000  }
0x57: {  	[tilespmem:s15], [sflag:$0x1] =	stream.indirect.gather [hbm4b:s1+s14], $0x80, s29, s14, $0xb8;
	[tilespmem:$0x1C400] =	vst v63  }
0x58: {  	_ = 	snop  }
0x59: {  	[tilespmem:s16], [sflag:$0x2] =	stream.indirect.gather [hbm4b:s1+s14], $0x80, s30, s14, $0xb8;
	[tilespmem:$0x1C400] =	vst v63  }
0x5a: {  	_ =	swait.ge [sflag:s17], $0x4000  }
0x5b: {  	[sflag:s17] =	ssyncset.done $0x0  }
0x5c: {  	[sflag:s17] =	ssyncadd.s32 $0xFFFFC000  }
0x5d: {  	[spmem:s3] =	stream.indirect.scatter.add.f32 [tilespmem:s15], [sflag:$0x3], $0x80, s31, s14, $0xb8;
	[tilespmem:$0x1C400] =	vst v63  }
0x5e: {  	_ =	swait.ge [sflag:s12], $0x4000  }
0x5f: {  	[sflag:s12] =	ssyncset.done $0x0  }
0x60: {  	[sflag:s12] =	ssyncadd.s32 $0xFFFFC000  }
0x61: {  	_ =	swait.ge [sflag:s18], $0x4000  }
0x62: {  	[sflag:s18] =	ssyncset.done $0x0  }
0x63: {  	[sflag:s18] =	ssyncadd.s32 $0xFFFFC000  }
0x64: {  	[spmem:s3] =	stream.indirect.scatter.add.f32 [tilespmem:s16], [sflag:$0x3], $0x80, s2, s14, $0xb8;
	[tilespmem:$0x1C400] =	vst v63  }
0x65: {  	_ =	swait.ge [sflag:s12], $0x4000  }
0x66: {  	s5 =	simm.s32 $0x80;
	s7 =	simm.s32 $0x100;
	[sflag:s12] =	ssyncset.done $0x0  }
.LBB2_2:
0x67: {  	s6 =	sadd.s32 s5, s10  }
0x68: {  	[sflag:s12] =	ssyncadd.s32 $0xFFFFC000;
	s11 =	smov.u32 s7;
	s8 =	sadd.s32 $0x80, s7  }
0x69: {  	[tilespmem:s4], [sflag:$0x3] =	stream.linear.gather [hbm4b:s6+s4], $0x400, $0x38;
	[tilespmem:$0x1C400] =	vst v63  }
0x6a: {  	p0 =	sne.s32 s7, $0x480;
	_ =	swait.ge [sflag:s12], $0x400  }
0x6b: {  	[sflag:s12] =	ssyncset.done $0x0  }
0x6c: {  	s6 =	sadd.s32 s5, s9;
	s5 =	smov.u32 s11;
	[sflag:s12] =	ssyncadd.s32 $0xFFFFFC00  }
0x6d: {  	[tilespmem:s13], [sflag:$0x3] =	stream.linear.gather [hbm4b:s6+s4], $0x400, $0x38;
	[tilespmem:$0x1C400] =	vst v63  }
0x6e: {  	_ =	swait.ge [sflag:s12], $0x400  }
0x6f: {  	[sflag:s12] =	ssyncset.done $0x0  }
0x70: {  	[sflag:s12] =	ssyncadd.s32 $0xFFFFFC00  }
0x71: {  	[tilespmem:s15], [sflag:$0x1] =	stream.indirect.gather [hbm4b:s1+s14], $0x80, s4, s14, $0xb8;
	[tilespmem:$0x1C400] =	vst v63  }
0x72: {  	_ = 	snop  }
0x73: {  	[tilespmem:s16], [sflag:$0x2] =	stream.indirect.gather [hbm4b:s1+s14], $0x80, s14, s14, $0xb8;
	[tilespmem:$0x1C400] =	vst v63  }
0x74: {  	_ =	swait.ge [sflag:s17], $0x4000  }
0x75: {  	[sflag:s17] =	ssyncset.done $0x0  }
0x76: {  	[sflag:s17] =	ssyncadd.s32 $0xFFFFC000  }
0x77: {  	[spmem:s3] =	stream.indirect.scatter.add.f32 [tilespmem:s15], [sflag:$0x3], $0x80, s13, s14, $0xb8;
	[tilespmem:$0x1C400] =	vst v63  }
0x78: {  	_ =	swait.ge [sflag:s12], $0x4000  }
0x79: {  	[sflag:s12] =	ssyncset.done $0x0  }
0x7a: {  	[sflag:s12] =	ssyncadd.s32 $0xFFFFC000  }
0x7b: {  	_ =	swait.ge [sflag:s18], $0x4000  }
0x7c: {  	[sflag:s18] =	ssyncset.done $0x0  }
0x7d: {  	[sflag:s18] =	ssyncadd.s32 $0xFFFFC000  }
0x7e: {  	[spmem:s3] =	stream.indirect.scatter.add.f32 [tilespmem:s16], [sflag:$0x3], $0x80, s19, s14, $0xb8;
	[tilespmem:$0x1C400] =	vst v63  }
0x7f: {  	_ =	swait.ge [sflag:s12], $0x4000  }
0x80: {  	[sflag:s12] =	ssyncset.done $0x0  }
0x81: {  	[sflag:s12] =	ssyncadd.s32 $0xFFFFC000  }
0x82: {  	[tilespmem:s15], [sflag:$0x1] =	stream.indirect.gather [hbm4b:s1+s14], $0x80, s20, s14, $0xb8;
	[tilespmem:$0x1C400] =	vst v63  }
0x83: {  	_ = 	snop  }
0x84: {  	[tilespmem:s16], [sflag:$0x2] =	stream.indirect.gather [hbm4b:s1+s14], $0x80, s21, s14, $0xb8;
	[tilespmem:$0x1C400] =	vst v63  }
0x85: {  	_ =	swait.ge [sflag:s17], $0x4000  }
0x86: {  	[sflag:s17] =	ssyncset.done $0x0  }
0x87: {  	[sflag:s17] =	ssyncadd.s32 $0xFFFFC000  }
0x88: {  	[spmem:s3] =	stream.indirect.scatter.add.f32 [tilespmem:s15], [sflag:$0x3], $0x80, s22, s14, $0xb8;
	[tilespmem:$0x1C400] =	vst v63  }
0x89: {  	_ =	swait.ge [sflag:s12], $0x4000  }
0x8a: {  	[sflag:s12] =	ssyncset.done $0x0  }
0x8b: {  	[sflag:s12] =	ssyncadd.s32 $0xFFFFC000  }
0x8c: {  	_ =	swait.ge [sflag:s18], $0x4000  }
0x8d: {  	[sflag:s18] =	ssyncset.done $0x0  }
0x8e: {  	[sflag:s18] =	ssyncadd.s32 $0xFFFFC000  }
0x8f: {  	[spmem:s3] =	stream.indirect.scatter.add.f32 [tilespmem:s16], [sflag:$0x3], $0x80, s23, s14, $0xb8;
	[tilespmem:$0x1C400] =	vst v63  }
0x90: {  	_ =	swait.ge [sflag:s12], $0x4000  }
0x91: {  	[sflag:s12] =	ssyncset.done $0x0  }
0x92: {  	[sflag:s12] =	ssyncadd.s32 $0xFFFFC000  }
0x93: {  	[tilespmem:s15], [sflag:$0x1] =	stream.indirect.gather [hbm4b:s1+s14], $0x80, s24, s14, $0xb8;
	[tilespmem:$0x1C400] =	vst v63  }
0x94: {  	_ = 	snop  }
0x95: {  	[tilespmem:s16], [sflag:$0x2] =	stream.indirect.gather [hbm4b:s1+s14], $0x80, s25, s14, $0xb8;
	[tilespmem:$0x1C400] =	vst v63  }
0x96: {  	_ =	swait.ge [sflag:s17], $0x4000  }
0x97: {  	[sflag:s17] =	ssyncset.done $0x0  }
0x98: {  	[sflag:s17] =	ssyncadd.s32 $0xFFFFC000  }
0x99: {  	[spmem:s3] =	stream.indirect.scatter.add.f32 [tilespmem:s15], [sflag:$0x3], $0x80, s26, s14, $0xb8;
	[tilespmem:$0x1C400] =	vst v63  }
0x9a: {  	_ =	swait.ge [sflag:s12], $0x4000  }
0x9b: {  	[sflag:s12] =	ssyncset.done $0x0  }
0x9c: {  	[sflag:s12] =	ssyncadd.s32 $0xFFFFC000  }
0x9d: {  	_ =	swait.ge [sflag:s18], $0x4000  }
0x9e: {  	[sflag:s18] =	ssyncset.done $0x0  }
0x9f: {  	[sflag:s18] =	ssyncadd.s32 $0xFFFFC000  }
0xa0: {  	[spmem:s3] =	stream.indirect.scatter.add.f32 [tilespmem:s16], [sflag:$0x3], $0x80, s28, s14, $0xb8;
	[tilespmem:$0x1C400] =	vst v63  }
0xa1: {  	_ =	swait.ge [sflag:s12], $0x4000  }
0xa2: {  	[sflag:s12] =	ssyncset.done $0x0  }
0xa3: {  	[sflag:s12] =	ssyncadd.s32 $0xFFFFC000  }
0xa4: {  	[tilespmem:s15], [sflag:$0x1] =	stream.indirect.gather [hbm4b:s1+s14], $0x80, s29, s14, $0xb8;
	[tilespmem:$0x1C400] =	vst v63  }
0xa5: {  	_ = 	snop  }
0xa6: {  	[tilespmem:s16], [sflag:$0x2] =	stream.indirect.gather [hbm4b:s1+s14], $0x80, s30, s14, $0xb8;
	[tilespmem:$0x1C400] =	vst v63  }
0xa7: {  	_ =	swait.ge [sflag:s17], $0x4000  }
0xa8: {  	[sflag:s17] =	ssyncset.done $0x0  }
0xa9: {  	[sflag:s17] =	ssyncadd.s32 $0xFFFFC000  }
0xaa: {  	[spmem:s3] =	stream.indirect.scatter.add.f32 [tilespmem:s15], [sflag:$0x3], $0x80, s31, s14, $0xb8;
	[tilespmem:$0x1C400] =	vst v63  }
0xab: {  	_ =	swait.ge [sflag:s12], $0x4000  }
0xac: {  	[sflag:s12] =	ssyncset.done $0x0  }
0xad: {  	[sflag:s12] =	ssyncadd.s32 $0xFFFFC000  }
0xae: {  	_ =	swait.ge [sflag:s18], $0x4000  }
.Ltmp0:
0xaf: {  	[sflag:s18] =	ssyncset.done $0x0;
	(pc) =	sbr.rel @p0 .LBB2_2-.Ltmp0, $4  }
0xb0: {  	[sflag:s18] =	ssyncadd.s32 $0xFFFFC000  }
0xb1: {  	[spmem:s3] =	stream.indirect.scatter.add.f32 [tilespmem:s16], [sflag:$0x3], $0x80, s2, s14, $0xb8;
	[tilespmem:$0x1C400] =	vst v63  }
0xb2: {  	_ =	swait.ge [sflag:s12], $0x4000  }
0xb3: {  	s7 =	smov.u32 s8;
	[sflag:s12] =	ssyncset.done $0x0  }
0xb4: {  	s6 =	sadd.s32 s5, s10;
	[sflag:s12] =	ssyncadd.s32 $0xFFFFC000  }
0xb5: {  	[tilespmem:s4], [sflag:$0x3] =	stream.linear.gather [hbm4b:s6+s4], $0x400, $0x38;
	[tilespmem:$0x1C400] =	vst v63  }
0xb6: {  	_ =	swait.ge [sflag:s12], $0x400  }
0xb7: {  	[sflag:s12] =	ssyncset.done $0x0  }
0xb8: {  	s7 =	sadd.s32 s5, s9;
	[sflag:s12] =	ssyncadd.s32 $0xFFFFFC00  }
0xb9: {  	[tilespmem:s13], [sflag:$0x3] =	stream.linear.gather [hbm4b:s7+s4], $0x400, $0x38;
	[tilespmem:$0x1C400] =	vst v63  }
0xba: {  	_ =	swait.ge [sflag:s12], $0x400  }
0xbb: {  	[sflag:s12] =	ssyncset.done $0x0  }
0xbc: {  	[sflag:s12] =	ssyncadd.s32 $0xFFFFFC00  }
0xbd: {  	[tilespmem:s15], [sflag:$0x1] =	stream.indirect.gather [hbm4b:s1+s14], $0x80, s4, s14, $0xb8;
	[tilespmem:$0x1C400] =	vst v63  }
0xbe: {  	_ = 	snop  }
0xbf: {  	[tilespmem:s16], [sflag:$0x2] =	stream.indirect.gather [hbm4b:s1+s14], $0x80, s14, s14, $0xb8;
	[tilespmem:$0x1C400] =	vst v63  }
0xc0: {  	_ =	swait.ge [sflag:s17], $0x4000  }
0xc1: {  	[sflag:s17] =	ssyncset.done $0x0  }
0xc2: {  	[sflag:s17] =	ssyncadd.s32 $0xFFFFC000  }
0xc3: {  	[spmem:s3] =	stream.indirect.scatter.add.f32 [tilespmem:s15], [sflag:$0x3], $0x80, s13, s14, $0xb8;
	[tilespmem:$0x1C400] =	vst v63  }
0xc4: {  	_ =	swait.ge [sflag:s12], $0x4000  }
0xc5: {  	[sflag:s12] =	ssyncset.done $0x0  }
0xc6: {  	[sflag:s12] =	ssyncadd.s32 $0xFFFFC000  }
0xc7: {  	_ =	swait.ge [sflag:s18], $0x4000  }
0xc8: {  	[sflag:s18] =	ssyncset.done $0x0  }
0xc9: {  	[sflag:s18] =	ssyncadd.s32 $0xFFFFC000  }
0xca: {  	[spmem:s3] =	stream.indirect.scatter.add.f32 [tilespmem:s16], [sflag:$0x3], $0x80, s19, s14, $0xb8;
	[tilespmem:$0x1C400] =	vst v63  }
0xcb: {  	_ =	swait.ge [sflag:s12], $0x4000  }
0xcc: {  	[sflag:s12] =	ssyncset.done $0x0  }
0xcd: {  	[sflag:s12] =	ssyncadd.s32 $0xFFFFC000  }
0xce: {  	[tilespmem:s15], [sflag:$0x1] =	stream.indirect.gather [hbm4b:s1+s14], $0x80, s20, s14, $0xb8;
	[tilespmem:$0x1C400] =	vst v63  }
0xcf: {  	_ = 	snop  }
0xd0: {  	[tilespmem:s16], [sflag:$0x2] =	stream.indirect.gather [hbm4b:s1+s14], $0x80, s21, s14, $0xb8;
	[tilespmem:$0x1C400] =	vst v63  }
0xd1: {  	_ =	swait.ge [sflag:s17], $0x4000  }
0xd2: {  	[sflag:s17] =	ssyncset.done $0x0  }
0xd3: {  	[sflag:s17] =	ssyncadd.s32 $0xFFFFC000  }
0xd4: {  	[spmem:s3] =	stream.indirect.scatter.add.f32 [tilespmem:s15], [sflag:$0x3], $0x80, s22, s14, $0xb8;
	[tilespmem:$0x1C400] =	vst v63  }
0xd5: {  	_ =	swait.ge [sflag:s12], $0x4000  }
0xd6: {  	[sflag:s12] =	ssyncset.done $0x0  }
0xd7: {  	[sflag:s12] =	ssyncadd.s32 $0xFFFFC000  }
0xd8: {  	_ =	swait.ge [sflag:s18], $0x4000  }
0xd9: {  	[sflag:s18] =	ssyncset.done $0x0  }
0xda: {  	[sflag:s18] =	ssyncadd.s32 $0xFFFFC000  }
0xdb: {  	[spmem:s3] =	stream.indirect.scatter.add.f32 [tilespmem:s16], [sflag:$0x3], $0x80, s23, s14, $0xb8;
	[tilespmem:$0x1C400] =	vst v63  }
0xdc: {  	_ =	swait.ge [sflag:s12], $0x4000  }
0xdd: {  	[sflag:s12] =	ssyncset.done $0x0  }
0xde: {  	[sflag:s12] =	ssyncadd.s32 $0xFFFFC000  }
0xdf: {  	[tilespmem:s15], [sflag:$0x1] =	stream.indirect.gather [hbm4b:s1+s14], $0x80, s24, s14, $0xb8;
	[tilespmem:$0x1C400] =	vst v63  }
0xe0: {  	_ = 	snop  }
0xe1: {  	[tilespmem:s16], [sflag:$0x2] =	stream.indirect.gather [hbm4b:s1+s14], $0x80, s25, s14, $0xb8;
	[tilespmem:$0x1C400] =	vst v63  }
0xe2: {  	_ =	swait.ge [sflag:s17], $0x4000  }
0xe3: {  	[sflag:s17] =	ssyncset.done $0x0  }
0xe4: {  	[sflag:s17] =	ssyncadd.s32 $0xFFFFC000  }
0xe5: {  	[spmem:s3] =	stream.indirect.scatter.add.f32 [tilespmem:s15], [sflag:$0x3], $0x80, s26, s14, $0xb8;
	[tilespmem:$0x1C400] =	vst v63  }
0xe6: {  	_ =	swait.ge [sflag:s12], $0x4000  }
0xe7: {  	[sflag:s12] =	ssyncset.done $0x0  }
0xe8: {  	[sflag:s12] =	ssyncadd.s32 $0xFFFFC000  }
0xe9: {  	_ =	swait.ge [sflag:s18], $0x4000  }
0xea: {  	[sflag:s18] =	ssyncset.done $0x0  }
0xeb: {  	[sflag:s18] =	ssyncadd.s32 $0xFFFFC000  }
0xec: {  	[spmem:s3] =	stream.indirect.scatter.add.f32 [tilespmem:s16], [sflag:$0x3], $0x80, s28, s14, $0xb8;
	[tilespmem:$0x1C400] =	vst v63  }
0xed: {  	_ =	swait.ge [sflag:s12], $0x4000  }
0xee: {  	[sflag:s12] =	ssyncset.done $0x0  }
0xef: {  	[sflag:s12] =	ssyncadd.s32 $0xFFFFC000  }
0xf0: {  	[tilespmem:s15], [sflag:$0x1] =	stream.indirect.gather [hbm4b:s1+s14], $0x80, s29, s14, $0xb8;
	[tilespmem:$0x1C400] =	vst v63  }
0xf1: {  	_ = 	snop  }
0xf2: {  	[tilespmem:s16], [sflag:$0x2] =	stream.indirect.gather [hbm4b:s1+s14], $0x80, s30, s14, $0xb8;
	[tilespmem:$0x1C400] =	vst v63  }
0xf3: {  	_ =	swait.ge [sflag:s17], $0x4000  }
0xf4: {  	[sflag:s17] =	ssyncset.done $0x0  }
0xf5: {  	[sflag:s17] =	ssyncadd.s32 $0xFFFFC000  }
0xf6: {  	[spmem:s3] =	stream.indirect.scatter.add.f32 [tilespmem:s15], [sflag:$0x3], $0x80, s31, s14, $0xb8;
	[tilespmem:$0x1C400] =	vst v63  }
0xf7: {  	_ =	swait.ge [sflag:s12], $0x4000  }
0xf8: {  	[sflag:s12] =	ssyncset.done $0x0  }
0xf9: {  	[sflag:s12] =	ssyncadd.s32 $0xFFFFC000  }
0xfa: {  	_ =	swait.ge [sflag:s18], $0x4000  }
0xfb: {  	[sflag:s18] =	ssyncset.done $0x0  }
0xfc: {  	[sflag:s18] =	ssyncadd.s32 $0xFFFFC000  }
0xfd: {  	[spmem:s3] =	stream.indirect.scatter.add.f32 [tilespmem:s16], [sflag:$0x3], $0x80, s2, s14, $0xb8;
	[tilespmem:$0x1C400] =	vst v63  }
0xfe: {  	_ =	swait.ge [sflag:s12], $0x4000  }
0xff: {  	[sflag:s12] =	ssyncset.done $0x0  }
0x100: {  	[sflag:s12] =	ssyncadd.s32 $0xFFFFC000  }
0x101: {  	[bflag:$0x0] =	sbarrier.arrive $0xFFFF  }
0x102: {  	s6 =	rddreg [dreg:$0x5]  }
0x103: {  	s8 =	rddreg [dreg:$0x6]  }
0x104: {  	s7 =	rddreg [dreg:$0x8]  }
0x105: {  	[hbm:s8], [sflag:s6] =	dma.local [spmem:s7], $0x2780  }
0x106: {  	_ =	swait.ge [sflag:s12], $0x2780  }
0x107: {  	s0 =	sadd.s32 $0x1, s0;
	s11 =	rddreg [dreg:$0x7]  }
0x108: {  	p0 =	sne.s32 s0, s11  }
.Ltmp1:
0x109: {  	_ = 	snop;
	(pc) =	sbr.rel @p0 .LBB2_1-.Ltmp1, $3  }
0x10a: {  	_ =	sdelay $0x1  }
0x10b: {  	[sflag:s12] =	ssyncset.done $0x0  }
0x10c: {  	[sflag:s12] =	ssyncadd.s32 $0xFFFFD880  }
0x10d: {  	_ =	sfence.sel $0x180000  }
0x10e: {  	[bflag:$0x0] =	sbarrier.arrive $0xFFFF  }
0x10f: {  	_ =	strace $0x9000004D  }
0x110: {  	s0 =	stileid.u32;
	[bflag:$0x2] =	sbarrier.arrive $0xFFFF  }
0x111: {  	p0 =	sne.s32 s0, $0x0;
	s0 =	rddreg [dreg:$0x3]  }
0x112: {  	s0 =	sadd.s32 @!p0 $0x100000, s0  }
0x113: {  	[sflag:s0] =	ssyncadd.tile.s32 @!p0 $0x1;
	_ =	shalt  }
.Lfunc_end2:
_tile_overlayer_lowered:
.L_overlay_start_2:
0x114: {  	(tag) =	ssettag $0x2  }
0x115: {  	s0 =	rddreg [dreg:$0x0];
	s2 =	stileid.u32  }
0x116: {  	s1 =	rddreg [dreg:$0x1];
	p0 =	sne.s32 s2, $0x0  }
0x117: {  	s3 =	rddreg [dreg:$0x2];
	[bflag:$0x3] =	sbarrier.arrive $0xFFFF;
	s2 =	simm.s32 @!p0 $0x1C03  }
0x118: {  	[timem:s3], [sflag:s2] =	dma.local @!p0 [hbm:s0], s1  }
0x119: {  	s0 =	simm.s32 @!p0 $0x3  }
0x11a: {  	_ =	swait.ge @!p0 [sflag:s0], s1  }
0x11b: {  	s1 =	ssub.s32 @!p0 $0x0, s1;
	[sflag:s0] =	ssyncset.done @!p0 $0x0  }
0x11c: {  	[sflag:s0] =	ssyncadd.s32 @!p0 s1  }
0x11d: {  	[bflag:$0x3] =	sbarrier.arrive $0xFFFF  }
0x11e: {  	_ =	shalt  }

// kernel: scatter_offload_async_start
scs
__scs_entry_jumppad:
0x0: {  	(pc) =	sbr.rel $0x88, $3  }
0x1: {  	(tag) =	ssettag $0x0;
	lr =	simm.s32 $0x1  }
0x2: {  	[smem:$0x3F99] =	sst lr;
	_ =	strace $0xD0000000  }
0x3: {  	_ = 	snop  }
0x4: {  	_ = 	snop  }
0x5: {  	_ = 	snop  }
0x6: {  	_ = 	snop  }
0x7: {  	_ = 	snop  }
__scs_overlays_trampoline_lowered:
0x8: {  	[smem:$0x3FA8] =	sst s0  }
0x9: {  	[smem:$0x3FA9] =	sst s1  }
0xa: {  	[smem:$0x3FAA] =	sst s2  }
0xb: {  	[smem:$0x3FAB] =	sst s3  }
0xc: {  	[smem:$0x3FAC] =	sst s4  }
0xd: {  	[smem:$0x3FAD] =	sst s5  }
0xe: {  	[smem:$0x3FAE] =	sst s6  }
0xf: {  	[smem:$0x3FAF] =	sst s7  }
0x10: {  	[smem:$0x3FB0] =	sst s8  }
0x11: {  	[smem:$0x3FB1] =	sst s9;
	s0 =	simm.s32 @!p0 $0x0  }
0x12: {  	s1 =	sld [smem:$0x3F97];
	s0 =	simm.s32 @p0 $0x1  }
0x13: {  	[smem:$0x3FB2] =	sst s0;
	s0 =	simm.s32 @!p1 $0x0  }
0x14: {  	s2 =	sld [smem:$0x3F96];
	s0 =	simm.s32 @p1 $0x1  }
0x15: {  	[smem:$0x3FB3] =	sst s0;
	s0 =	simm.s32 @!p2 $0x0  }
0x16: {  	s3 =	sld [smem:$0x3FDB];
	s0 =	simm.s32 @p2 $0x1  }
0x17: {  	s4 =	simm.s32 $0x1BF5;
	[smem:$0x3FB5] =	sst s0  }
0x18: {  	s0 =	sld [smem:$0x3F98];
	_ =	swait.ge [sflag:s4], $0x0  }
0x19: {  	s7 =	sld [smem:$0x3F99]  }
0x1a: {  	s8 =	sadd.s32 $0xFFFFE003, lr  }
0x1b: {  	s9 =	sadd.s32 $0xFFFFFEF7, lr;
	s5 =	simm.s32 $0xFFFFFFFF;
	p2 =	slt.u32 s8, $0xFFFFF086  }
0x1c: {  	p1 =	slt.u32 s9, $0xF7A;
	s5 =	simm.s32 @!p2 $0x0  }
0x1d: {  	s5 =	simm.s32 @p1 $0x1;
	p0 =	seq.s32 s7, s2  }
0x1e: {  	s7 =	smul.u32 @!p0 $0xF7A, s2;
	p2 =	seq.s32 @!p0 s5, $0x0  }
0x1f: {  	s9 =	smul.u32 $0xF7A, s1;
	s8 =	simm.s32 @!p0 $0x1BF5;
	p2 =	por !p2, p0  }
0x20: {  	[sflag:s8] =	ssyncset.s32 @!p0 $0xFFFFF086;
	s6 =	sadd.s32 @!p0 s3, s7;
	s7 =	simm.s32 @!p0 $0x108  }
0x21: {  	s3 =	sadd.s32 s3, s9;
	s6 =	sadd.s32 @!p0 $0x88, s6;
	s7 =	simm.s32 @p2 $0x1082  }
0x22: {  	[simem:s7], [sflag:s8] =	dma.local @!p0 [hbm:s6], $0xF7A  }
0x23: {  	s9 =	sor.u32 $0xD0000000, s2;
	s6 =	simm.s32 $0x108;
	_ =	swait.ge @!p0 [sflag:s8], $0x0  }
0x24: {  	s3 =	sadd.s32 $0x88, s3;
	s6 =	simm.s32 @!p1 $0x1082;
	[sflag:s4] =	ssyncset.s32 $0xFFFFF086  }
0x25: {  	[simem:s6], [sflag:s4] =	dma.local [hbm:s3], $0xF7A  }
0x26: {  	[smem:$0x3F99] =	sst s1;
	(tag) =	ssettag s2;
	_ =	strace s9  }
0x27: {  	s1 =	sld [smem:$0x3FA9]  }
0x28: {  	s2 =	sld [smem:$0x3FAA]  }
0x29: {  	s4 =	sld [smem:$0x3FAC]  }
0x2a: {  	p0 =	seq.s32 s5, $0x0;
	s5 =	sld [smem:$0x3FAD]  }
0x2b: {  	s6 =	sld [smem:$0x3FAE]  }
0x2c: {  	s7 =	sld [smem:$0x3FAF]  }
0x2d: {  	s3 =	simm.s32 $0x108;
	s8 =	sld [smem:$0x3FB0]  }
0x2e: {  	s3 =	simm.s32 @!p0 $0x1082;
	s9 =	sld [smem:$0x3FB1]  }
0x2f: {  	lr =	sadd.s32 s0, s3;
	s0 =	sld [smem:$0x3FA8]  }
0x30: {  	s3 =	sld [smem:$0x3FAB]  }
0x31: {  	[smem:$0x3FB4] =	sst s10  }
0x32: {  	s10 =	sld [smem:$0x3FB2];
	_ =	sdelay $0x3  }
0x33: {  	p0 =	seq.s32 s10, $0x1;
	s10 =	sld [smem:$0x3FB4];
	_ =	sdelay $0x3  }
0x34: {  	[smem:$0x3FB4] =	sst s10  }
0x35: {  	s10 =	sld [smem:$0x3FB3];
	_ =	sdelay $0x3  }
0x36: {  	p1 =	seq.s32 s10, $0x1;
	s10 =	sld [smem:$0x3FB4];
	_ =	sdelay $0x3  }
0x37: {  	[smem:$0x3FB4] =	sst s10  }
0x38: {  	s10 =	sld [smem:$0x3FB5]  }
0x39: {  	_ = 	snop;
	(pc) =	sbr.ind lr, $3  }
0x3a: {  	_ = 	snop  }
0x3b: {  	_ = 	snop  }
0x3c: {  	p2 =	seq.s32 s10, $0x1;
	s10 =	sld [smem:$0x3FB4]  }
0x3d: {  	_ =	shalt  }
0x3e: {  	_ =	shalt  }
0x3f: {  	_ =	shalt  }
0x40: {  	_ =	shalt  }
0x41: {  	_ =	shalt  }
0x42: {  	_ =	shalt  }
0x43: {  	_ =	shalt  }
0x44: {  	_ =	shalt  }
0x45: {  	_ =	shalt  }
0x46: {  	_ =	shalt  }
0x47: {  	_ =	shalt  }
0x48: {  	_ =	shalt  }
0x49: {  	_ =	shalt  }
0x4a: {  	_ =	shalt  }
0x4b: {  	_ =	shalt  }
0x4c: {  	_ =	shalt  }
0x4d: {  	_ =	shalt  }
0x4e: {  	_ =	shalt  }
0x4f: {  	_ =	shalt  }
0x50: {  	_ =	shalt  }
0x51: {  	_ =	shalt  }
0x52: {  	_ =	shalt  }
0x53: {  	_ =	shalt  }
0x54: {  	_ =	shalt  }
0x55: {  	_ =	shalt  }
0x56: {  	_ =	shalt  }
0x57: {  	_ =	shalt  }
0x58: {  	_ =	shalt  }
0x59: {  	_ =	shalt  }
0x5a: {  	_ =	shalt  }
0x5b: {  	_ =	shalt  }
0x5c: {  	_ =	shalt  }
0x5d: {  	_ =	shalt  }
0x5e: {  	_ =	shalt  }
0x5f: {  	_ =	shalt  }
0x60: {  	_ =	shalt  }
0x61: {  	_ =	shalt  }
0x62: {  	_ =	shalt  }
0x63: {  	_ =	shalt  }
0x64: {  	_ =	shalt  }
0x65: {  	_ =	shalt  }
0x66: {  	_ =	shalt  }
0x67: {  	_ =	shalt  }
0x68: {  	_ =	shalt  }
0x69: {  	_ =	shalt  }
0x6a: {  	_ =	shalt  }
0x6b: {  	_ =	shalt  }
0x6c: {  	_ =	shalt  }
0x6d: {  	_ =	shalt  }
0x6e: {  	_ =	shalt  }
0x6f: {  	_ =	shalt  }
0x70: {  	_ =	shalt  }
0x71: {  	_ =	shalt  }
0x72: {  	_ =	shalt  }
0x73: {  	_ =	shalt  }
0x74: {  	_ =	shalt  }
0x75: {  	_ =	shalt  }
0x76: {  	_ =	shalt  }
0x77: {  	_ =	shalt  }
0x78: {  	_ =	shalt  }
0x79: {  	_ =	shalt  }
0x7a: {  	_ =	shalt  }
0x7b: {  	_ =	shalt  }
0x7c: {  	_ =	shalt  }
0x7d: {  	_ =	shalt  }
0x7e: {  	_ =	shalt  }
0x7f: {  	_ =	shalt  }
0x80: {  	_ =	shalt  }
0x81: {  	_ =	shalt  }
0x82: {  	_ =	shalt  }
0x83: {  	_ =	shalt  }
0x84: {  	_ =	shalt  }
0x85: {  	_ =	shalt  }
0x86: {  	_ =	shalt  }
0x87: {  	_ =	shalt  }
.Lfunc_end0:
.L_simem_size_0:
called_computation_lowered:
.L_overlay_start_0:
0x88: {  	s0 =	sld [smem:$0x3FD9]  }
0x89: {  	s1 =	sld [smem:$0x3FFE];
	_ =	sdelay $0x3  }
0x8a: {  	s0 =	sadd.s32 s1, s0  }
0x8b: {  	[smem:$0x3FC0] =	sst s0  }
0x8c: {  	_ = 	snop  }
0x8d: {  	s0 =	sld [smem:$0x3FD0];
	(tm) =	ssettm $0x1  }
0x8e: {  	s16 =	sld [smem:$0x3FFB];
	_ =	sdelay $0x3  }
0x8f: {  	_ =	strace s16  }
0x90: {  	s1 =	sld [smem:$0x3FFC];
	_ =	sdelay $0x3  }
0x91: {  	_ =	strace s1  }
0x92: {  	s1 =	sld [smem:$0x3FFD];
	_ =	sdelay $0x3  }
0x93: {  	_ =	strace s1  }
0x94: {  	_ =	strace $0x8FFFFFFF  }
0x95: {  	s17 =	sld [smem:$0x3FDB];
	_ =	sdelay $0x1  }
0x96: {  	s2 =	simm.s32 $_scs_section_size  }
0x97: {  	s3 =	simm.s32 $_size__tile_overlayer_lowered;
	s4 =	simm.s32 $_tile_overlayer_lowered  }
0x98: {  	s20 =	simm.s32 $0x1BFF;
	s19 =	sshll.u32 s4, $0x1;
	s1 =	sadd.s32 s2, s17  }
0x99: {  	s5 =	simm.s32 $0x0;
	s18 =	sshll.u32 s3, $0x1;
	s3 =	sadd.s32 s19, s1  }
0x9a: {  	[timem:s5], [sflag:s20] =	dma.local [hbm:s3], s18  }
0x9b: {  	_ =	swait.ge [sflag:s20], s18  }
0x9c: {  	s2 =	ssub.s32 $0x0, s18;
	[sflag:s20] =	ssyncset.done $0x0  }
0x9d: {  	[sflag:s20] =	ssyncadd.s32 s2;
	_ =	sdelay $0x1  }
0x9e: {  	s21 =	simm.s32 $0x1B8B  }
0x9f: {  	_ =	swait.ge [sflag:s21], $0x1  }
0xa0: {  	[sflag:s21] =	ssyncset.done $0x0  }
0xa1: {  	s23 =	simm.s32 $0x1B8E;
	s22 =	sld [smem:$0x3FFE];
	[sflag:s21] =	ssyncadd.s32 $0xFFFFFFFF  }
0xa2: {  	s24 =	simm.s32 $execute0_lowered;
	[smem:$0x3FD2] =	sst s23  }
0xa3: {  	s3 =	sshll.u32 s24, $0x1;
	_ =	strace $0x80000046;
	[dreg:$0x1] =	wrdreg $0xFFFFFFFF  }
0xa4: {  	s25 =	simm.s32 $_size_execute0_lowered;
	s1 =	sadd.s32 s1, s3;
	[dreg:$0x0] =	wrdreg $0x0  }
0xa5: {  	s3 =	sshll.u32 s25, $0x1;
	[dreg:$0x2] =	wrdreg s1  }
0xa6: {  	[dreg:$0x3] =	wrdreg s3  }
0xa7: {  	[dreg:$0x4] =	wrdreg $0xC0  }
0xa8: {  	_ =	task [dreg:s5], $0x5FFFF  }
0xa9: {  	[dreg:$0x1] =	wrdreg $0xFFFFFFFF  }
0xaa: {  	[dreg:$0x0] =	wrdreg $0x60  }
0xab: {  	[dreg:$0x2] =	wrdreg s22  }
0xac: {  	[dreg:$0x3] =	wrdreg s0  }
0xad: {  	[dreg:$0x4] =	wrdreg $0x9  }
0xae: {  	_ =	task.clear_ibuf [dreg:s5], $0x5FFFF;
	_ =	strace $0x90000046  }
0xaf: {  	s26 =	simm.s32 $0x9;
	_ =	strace $0x80000048  }
0xb0: {  	_ =	swait.ge [sflag:s26], $0x1  }
0xb1: {  	[sflag:s26] =	ssyncadd.s32 $0xFFFFFFFF  }
0xb2: {  	_ =	strace $0x90000048  }
0xb3: {  	_ =	sfence  }
0xb4: {  	s28 =	sld [smem:$0x0];
	_ =	sdelay $0x1  }
0xb5: {  	s29 =	srdreg.scid  }
0xb6: {  	s30 =	sshll.u32 s29, $0xD;
	s31 =	sshrl.u32 s29, $0x2  }
0xb7: {  	s2 =	sand.u32 $0x4000, s30;
	s1 =	sand.u32 $0x1, s29;
	s0 =	sadd.s32 s31, s28  }
0xb8: {  	s1 =	sor.u32 s2, s1;
	s0 =	sshll.u32 s0, $0x11  }
0xb9: {  	s0 =	sor.u32 s0, s1  }
0xba: {  	s0 =	sadd.s32 $0x8F2B, s0  }
0xbb: {  	[sflag:s0] =	ssyncadd.remote.s32 $0x1  }
0xbc: {  	_ =	sfence.sel $0xFFFF  }
0xbd: {  	[dreg:$0x0] =	wrdreg $0xFFFFFFFF;
	(pc) =	sbr.abs _section_cstart, $3  }
0xbe: {  	[dreg:$0x1] =	wrdreg $0xFFFFFFFF  }
0xbf: {  	_ =	task.clear_ibuf [dreg:s5], $0x2FFFF;
	_ =	strace $0x9FFFFFFF  }
0xc0: {  	(tm) =	ssettm $0x7FFFFFFF  }
0xc1: {  	_ =	shalt  }
tec
execute0_lowered:
.L_overlay_start_1:
0x0: {  	(tag) =	ssettag $0x1  }
0x1: {  	s0 =	rddreg [dreg:$0x0]  }
0x2: {  	s3 =	rddreg [dreg:$0x1];
	_ =	strace $0x80000047;
	s15 =	stileid.u32  }
0x3: {  	s2 =	simm.s32 $0x1;
	s1 =	smin.u32 s15, $0x8;
	s4 =	sshll.u32 s15, $0x1  }
0x4: {  	v1 =	vimm.s32 $0xFFFFFFFF;
	[sflag:s2] =	ssyncpa.u1 $0x0;
	s1 =	sadd.s32 s1, s4  }
0x5: {  	p0 =	slt.u32 s15, $0x8;
	[tilespmem:$0x10] =	vst v1;
	s5 =	smul.u32 $0x1F40, s1;
	s1 =	simm.s32 $0x5DC0  }
0x6: {  	v0 =	vimm.f32 $0.0e+00;
	[tilespmem:$0x20] =	vst v1;
	s1 =	simm.s32 @!p0 $0x3E80  }
0x7: {  	[tilespmem:$0x30] =	vst v0;
	s1 =	sadd.s32 s1, s5  }
0x8: {  	[tilespmem:$0x40] =	vst v0;
	s6 =	smin.u32 s1, $0x4E200  }
0x9: {  	s7 =	simm.s32 $0x2;
	[tilespmem:$0x50] =	vst v0;
	s9 =	ssub.s32 s6, s5  }
0xa: {  	s8 =	simm.s32 $0x8;
	s31 =	simm.s32 $0x9;
	[tilespmem:$0x60] =	vst v1;
	p0 =	sgt.s32 s9, $0x0  }
0xb: {  	s16 =	simm.s32 $0x0;
	s17 =	simm.s32 $0xF0;
	[tilespmem:$0x70] =	vst v1;
	s9 =	simm.s32 @!p0 $0x0  }
0xc: {  	s18 =	simm.s32 $0xFFFFFFFF;
	s19 =	simm.s32 $0xFFFFC280;
	[tilespmem:$0x80] =	vst v1;
	s30 =	smulhi.u32 $0x10624DD3, s9  }
0xd: {  	s20 =	simm.s32 $0xFFFFFFFE;
	s21 =	simm.s32 $0xF;
	s25 =	simm.s32 $0x0;
	v1 =	vimm.s32 $0x0;
	[tilespmem:$0xB0] =	vst v0  }
0xe: {  	s24 =	simm.s32 $0x0;
	s15 =	sshllo.u32 s15, $0x1;
	[tilespmem:$0x90] =	vst v1;
	s10 =	sshrl.u32 s30, $0x9  }
0xf: {  	[tilespmem:$0xA0] =	vst v1;
	[sflag:s7] =	ssyncpa.u1 $0x0;
	s7 =	simm.s32 $0x7;
	s11 =	smul.u32 $0x1F40, s10  }
.Ltmp0:
0x10: {  	s13 =	sor.u32 $0x80, s4;
	[sflag:s7] =	ssyncpa.u1 $0x0;
	(pc) =	sbr.rel .LBB2_1-.Ltmp0, $4  }
0x11: {  	s14 =	sor.u32 $0x81, s4;
	[sflag:s8] =	ssyncpa.u1 $0x0;
	p0 =	sne.s32 s9, s11  }
0x12: {  	s23 =	smov.u32 s5;
	s1 =	sadd.s32 $0x1EE00, s0;
	s2 =	simm.s32 @!p0 $0x0  }
0x13: {  	vm0 =	vmmov $0xffff;
	v2 =	vlaneseq.u32;
	[sflag:s31] =	ssyncpa.u1 $0x0;
	s9 =	sadd.s32 $0x1000, s0;
	s10 =	sadd.s32 s2, s10  }
0x14: {  	vm1 =	vmxor vm1, vm1;
	vm2 =	vmmov $0x1;
	vm3 =	vcmask $0x3F3C;
	p0 =	por $0x0, $0x0;
	s11 =	sadd.s32 $0x1, s10;
	s12 =	sadd.s32 $0x2, s10  }
.LBB2_9:
0x15: {  	p1 =	slt.u32 s24, $0x3  }
0x16: {  	s0 =	simm.s32 @!p1 $0x2  }
0x17: {  	_ =	swait.ge @!p1 [sflag:s0], $0x1F40  }
0x18: {  	[sflag:s0] =	ssyncset.done @!p1 $0x0  }
0x19: {  	[sflag:s0] =	ssyncadd.s32 @!p1 $0xFFFFE0C0;
	s0 =	simm.s32 @!p1 $0x9  }
0x1a: {  	_ =	swait.ge @!p1 [sflag:s0], $0x10  }
0x1b: {  	[sflag:s0] =	ssyncset.done @!p1 $0x0  }
0x1c: {  	[sflag:s0] =	ssyncadd.s32 @!p1 $0xFFFFFFF0;
	p1 =	sne.s32 s24, s12  }
.Ltmp1:
0x1d: {  	s2 =	sadd.s32 $0x1F40, s23;
	(pc) =	sbr.rel @!p1 .LBB2_10-.Ltmp1, $4  }
0x1e: {  	s22 =	smov.u32 s5;
	s31 =	sadd.s32 $0x1, s24;
	s17 =	sadd.s32 $0x1F40, s17  }
0x1f: {  	s18 =	sadd.s32 $0x1, s18;
	s25 =	smov.u32 s23;
	p2 =	slt.s32 s2, s6  }
0x20: {  	p0 =	por !p0, !p0;
	s19 =	sadd.s32 $0x1F40, s19;
	s22 =	smov.u32 @p2 s2  }
0x21: {  	s20 =	sadd.s32 $0x1, s20;
	s23 =	smov.u32 s22;
	s24 =	smov.u32 s31  }
.LBB2_1:
0x22: {  	p1 =	sge.u32 s24, s10  }
0x23: {  	s0 =	smulhi.u32 @!p1 $0xAAAAAAAB, s24;
	_ =	sdelay $0x1  }
0x24: {  	s0 =	sshrl.u32 @!p1 s0, $0x1  }
0x25: {  	s0 =	smul.u32 @!p1 $0x3, s0;
	_ =	sdelay $0x1  }
0x26: {  	s0 =	ssub.s32 @!p1 s24, s0  }
0x27: {  	s0 =	smul.u32 @!p1 $0x7D00, s0;
	_ =	sdelay $0x1  }
0x28: {  	s2 =	sshrl.u32 @!p1 s23, $0x3;
	s0 =	sshrl.u32 @!p1 s0, $0x2  }
0x29: {  	s22 =	sand.u32 @!p1 $0x7, s23;
	s2 =	sadd.s32 @!p1 s3, s2;
	s0 =	sadd.s32 @!p1 $0x100, s0  }
0x2a: {  	[tilespmem:s0], [sflag:$0x7] =	stream.linear.gather @!p1 [hbm4b:s2+s22], $0x1F40, $0x38;
	[tilespmem:$0x11A60] =	vst v63  }
0x2b: {  	s0 =	sadd.s32 $0xFFFFFFFF, s24  }
0x2c: {  	p1 =	sge.u32 s0, s10  }
.Ltmp2:
0x2d: {  	_ = 	snop;
	(pc) =	sbr.rel @p1 .LBB2_5-.Ltmp2, $1  }
0x2e: {  	_ =	sdelay $0x3  }
0x2f: {  	s2 =	smulhi.u32 $0xAAAAAAAB, s0;
	_ =	sdelay $0x1  }
0x30: {  	s2 =	sshrl.u32 s2, $0x1  }
0x31: {  	s2 =	smul.u32 $0x3, s2;
	_ =	sdelay $0x1  }
0x32: {  	s2 =	ssub.s32 s0, s2  }
0x33: {  	s2 =	smul.u32 $0x7D00, s2  }
0x34: {  	_ =	swait.ge [sflag:s7], $0x1F40  }
0x35: {  	[sflag:s7] =	ssyncset.done $0x0;
	s2 =	sshrl.u32 s2, $0x2  }
0x36: {  	[sflag:s7] =	ssyncadd.s32 $0xFFFFE0C0;
	(ifvalue) =	ssetifvalue $0xFFFFFFFF;
	v3 =	vld.msk [tilespmem:s2+$0x100 ss:$0x1], $0xffff;
	_ =	sdelay $0x2  }
0x37: {  	s30 =	smulhi.u32 $0xAAAAAAAB, s18;
	p1 =	sne.s32 s24, $0x1  }
0x38: {  	v4 =	vimm.s32 @!p1 $0x0  }
0x39: {  	s2 =	sshrl.u32 s30, $0x1;
	v4 =	vperm.xlane @!p1 v3, v4  }
0x3a: {  	s22 =	sshll.u32 s24, $0x4;
	s2 =	smul.u32 $0xFFFE8900, s2;
	vm4 =	vlt.u32 v3, $0x2800  }
0x3b: {  	s22 =	sand.u32 $0x10, s22;
	v3 =	vnsel vm4, $0xFFFFFFFE, v3;
	vm4 =	vlt.u32 @!p1 v4, $0x2800  }
0x3c: {  	s2 =	sshra.s32 s2, $0x2;
	[tilespmem:s22+$0x60] =	vst v3;
	v3 =	vnsel @!p1 vm4, $0xFFFFFFFE, v4  }
0x3d: {  	s28 =	sadd.s32 s2, s17;
	[tilespmem:$0x80] =	vst @!p1 v3  }
0x3e: {  	v3 =	vld.msk [tilespmem:s28+$0x0 ss:$0x1], $0xffff;
	_ =	sdelay $0x4  }
0x3f: {  	(xrf1) =	vunique.msk.u32 $0xffff, v3;
	_ =	sdelay $0xd  }
0x40: {  	v4 =	vimm.s32 $0xFFFFFFFF;
	v5, _, _ =	vpop (xrf1)  }
0x41: {  	vm5 =	vne.s32 v3, v4;
	vm4 =	veq.s32 v5, v2  }
0x42: {  	vm6 =	vlt.u32 v3, $0x2800;
	vm4 =	vmand vm5, vm4  }
0x43: {  	vm4 =	vmand vm6, vm4  }
0x44: {  	v4 =	vnsel vm4, $0xFFFFFFFF, v3  }
0x45: {  	s31 =	sand.u32 $0x1, s0  }
0x46: {  	s0 =	simm.s32 $0x1F40;
	p1 =	seq.s32 s31, $0x1  }
0x47: {  	s0 =	simm.s32 @!p1 $0x0  }
0x48: {  	s26 =	sadd.s32 $0x7DF0, s0;
	(ifvalue) =	ssetifvalue $0xFFFFFFFF  }
0x49: {  	v3 =	vperm.xlane v3, v1;
	[tilespmem:s26], [sflag:$0x8] =	stream.indirect_vreg.gather [hbm4b:s1+s16], $0x1, v4, vm0, $0x4038;
	v4 =	vnsel vm6, $0xFFFFFFFE, v4;
	[tilespmem:$0x11A60] =	vst v63  }
0x4a: {  	s2 =	simm.s32 $0x0;
	s22 =	sadd.s32 $0xFFFFFFF0, s28;
	[tilespmem:s28+$0x0] =	vst v4  }
.LBB2_3:
0x4b: {  	v4 =	vld.msk [tilespmem:s22+$0x0 ss:$0x1], $0xffff;
	s2 =	sadd.s32 $0x10, s2;
	v5 =	vmov v3;
	s28 =	smov.u32 s22  }
0x4c: {  	p1 =	slt.u32 s2, $0x1F30;
	_ =	sdelay $0x4  }
0x4d: {  	v3 =	vperm.xlane v4, v1;
	(xrf1) =	vunique.msk.u32 $0xffff, v4;
	_ =	sdelay $0xd  }
0x4e: {  	v6, _, _ =	vpop (xrf1)  }
0x4f: {  	vm5 =	vne.s32 v4, v5;
	vm4 =	veq.s32 v6, v2  }
0x50: {  	vm6 =	vlt.u32 v4, $0x2800;
	vm4 =	vmand vm5, vm4  }
0x51: {  	vm4 =	vmand vm6, vm4  }
0x52: {  	v4 =	vnsel vm4, $0xFFFFFFFF, v4  }
.Ltmp3:
0x53: {  	v5 =	vnsel vm6, $0xFFFFFFFE, v4;
	(pc) =	sbr.rel @p1 .LBB2_3-.Ltmp3, $3  }
0x54: {  	_ =	sdelay $0x1  }
0x55: {  	s22 =	sadd.s32 $0xFFFFFFF0, s22;
	s26 =	sadd.s32 $0xFFFFFFF0, s26;
	(ifvalue) =	ssetifvalue $0xFFFFFFFF  }
0x56: {  	[tilespmem:s26], [sflag:$0x8] =	stream.indirect_vreg.gather [hbm4b:s1+s16], $0x1, v4, vm0, $0x4038;
	[tilespmem:s28+$0x0] =	vst v5  }
0x57: {  	s2 =	sshrl.u32 s25, $0x3  }
0x58: {  	s0 =	sadd.s32 $0x9D40, s0;
	s2 =	sadd.s32 s9, s2  }
0x59: {  	[tilespmem:s0], [sflag:$0x8] =	stream.linear.gather [hbm:s2], $0x1F40, $0x38;
	[tilespmem:$0x11A60] =	vst v63  }
.LBB2_5:
0x5a: {  	p1 =	slt.u32 s24, $0x2  }
0x5b: {  	p2 =	sge.u32 @!p1 s24, s12  }
0x5c: {  	p1 =	por p1, p2  }
.Ltmp4:
0x5d: {  	_ = 	snop;
	(pc) =	sbr.rel @p1 .LBB2_9-.Ltmp4, $1  }
0x5e: {  	_ =	sdelay $0x3  }
0x5f: {  	s0 =	sadd.s32 $0xFFFFFFFE, s24  }
0x60: {  	s2 =	smulhi.u32 $0xAAAAAAAB, s0;
	_ =	sdelay $0x1  }
0x61: {  	s2 =	sshrl.u32 s2, $0x1  }
0x62: {  	s2 =	smul.u32 $0x3, s2;
	_ =	sdelay $0x1  }
0x63: {  	s0 =	ssub.s32 s0, s2  }
0x64: {  	_ =	swait.ge [sflag:s8], $0x3E80;
	s0 =	smul.u32 $0x1F40, s0  }
0x65: {  	p1 =	sne.s32 s24, s11;
	[sflag:s8] =	ssyncset.done $0x0  }
0x66: {  	[sflag:s8] =	ssyncadd.s32 $0xFFFFC180;
	s2 =	sadd.s32 @!p1 $0x203F, s0  }
0x67: {  	[spmem:s14] =	stream.linear.scatter @!p1 [tilespmem:s2], [sflag:$0x1], $0x1, $0x38;
	[tilespmem:$0x11A60] =	vst v63  }
0x68: {  	s2 =	simm.s32 @!p1 $0x1  }
0x69: {  	_ =	swait.ge @!p1 [sflag:s2], $0x1  }
0x6a: {  	s22 =	sshll.u32 s24, $0x4;
	[sflag:s2] =	ssyncset.done @!p1 $0x0  }
0x6b: {  	s25 =	sand.u32 $0x10, s22;
	[sflag:s2] =	ssyncadd.s32 @!p1 $0xFFFFFFFF  }
0x6c: {  	s2 =	sxor.u32 $0x10, s25;
	v4 =	vld [tilespmem:s25+$0x10]  }
0x6d: {  	v5 =	vld [tilespmem:s2+$0x60]  }
0x6e: {  	v3 =	vld [tilespmem:$0x80];
	_ =	sdelay $0x2  }
0x6f: {  	(v2sf) =	vpush v4, $0x0  }
0x70: {  	(v2sf) =	vpush v5, $0x0  }
0x71: {  	(v2sf) =	vpush v3, $0x0;
	_ =	sdelay $0xc  }
0x72: {  	s22 =	spop (v2sf)  }
0x73: {  	s26 =	spop (v2sf)  }
0x74: {  	s28 =	spop (v2sf)  }
0x75: {  	p2 =	seq.s32 s22, s26;
	p3 =	seq.s32 s28, s22  }
0x76: {  	p3 =	por p2, p3  }
0x77: {  	s26 =	sand.u32 $0x1, s24;
	v4 =	vpsel p3, $0xFFFFFFFF, v4  }
0x78: {  	s29 =	smul.u32 $0x1F40, s26;
	[tilespmem:s25+$0x10] =	vst.msk $0x1, v4  }
0x79: {  	v4 =	vld [tilespmem:$0x30]  }
0x7a: {  	v5 =	vld [tilespmem:s29+$0x9D40]  }
0x7b: {  	v6 =	vld [tilespmem:s25+$0x40];
	_ =	sdelay $0x3  }
0x7c: {  	vm4 =	vmmov vm1;
	v5 =	vadd.f32 v5, v4  }
0x7d: {  	vm5 =	vmmov vm2;
	vm4 =	vmmov @p2 vm2;
	s22 =	sshll.u32 s26, $0x4;
	v4 =	vadd.f32 v6, v4  }
0x7e: {  	s26 =	sor.u32 $0x11A40, s22;
	vm5 =	vmmov @p3 vm1;
	[tilespmem:s29+$0x9D40] =	vst.msk vm4, v5  }
0x7f: {  	[tilespmem:s26+$0x0] =	vst.msk vm5, v4  }
0x80: {  	v4 =	vld [tilespmem:s29+$0x7DF0];
	_ =	sdelay $0x3  }
0x81: {  	v5 =	vimm.f32 $0.0e+00  }
0x82: {  	v4 =	vshift.insert v4, v5, s21  }
0x83: {  	s22 =	sor.u32 $0x40, s2  }
0x84: {  	[tilespmem:s22+$0x0] =	vst.msk $0x1, v4  }
0x85: {  	[tilespmem:s29+$0x7DFF] =	vst.msk $0x1, v5  }
0x86: {  	v4 =	vld [tilespmem:s0+$0x2030];
	_ =	sdelay $0x1  }
0x87: {  	s22 =	smulhi.u32 $0xAAAAAAAB, s20;
	s0 =	simm.s32 $0x1  }
0x88: {  	s0 =	simm.s32 @!p0 $0x0  }
0x89: {  	s22 =	sshrl.u32 s22, $0x1;
	s0 =	smul.u32 $0x7D00, s0  }
0x8a: {  	s22 =	smul.u32 $0xFFFE8900, s22;
	v4 =	vshift.insert v4, v1, s21  }
0x8b: {  	s0 =	sshrl.u32 s0, $0x2  }
0x8c: {  	s22 =	sshra.s32 s22, $0x2;
	s30 =	sadd.s32 $0x9D40, s0;
	[tilespmem:s2+$0x10] =	vst.msk $0x1, v4  }
0x8d: {  	s22 =	sadd.s32 s22, s19;
	v6 =	vld [tilespmem:s30+$0x0]  }
0x8e: {  	v7 =	vld [tilespmem:s22+$0x0];
	_ =	sdelay $0x3  }
0x8f: {  	v5 =	vadd.f32 v6, v5  }
0x90: {  	vm4 =	vne.s32 v7, $0xFFFFFFFF  }
0x91: {  	(xrf2) =	vadd.seg.scan.f32 vm4, v5;
	_ =	sdelay $0x3  }
0x92: {  	s31 =	sadd.s32 $0x5EC0, s0;
	v5 =	vperm.xlane v4, v1  }
0x93: {  	v6 =	vld [tilespmem:s31+$0x0]  }
0x94: {  	vm5 =	veq.s32 v7, v3;
	vm6 =	veq.s32 v7, v5  }
0x95: {  	vm7 =	vgt.u32 v7, $0xFFFFFFFD;
	vm6 =	vmor vm6, vm5  }
0x96: {  	vm6 =	vmor vm6, vm7  }
0x97: {  	v9 =	vld [tilespmem:$0xA0];
	v7 =	vsel vm6, $0xFFFFFFFF, v7  }
0x98: {  	v10 =	vld [tilespmem:$0x90];
	v6 =	vsel vm5, $0x0, v6;
	v8, _, _ =	vpop (xrf2)  }
0x99: {  	v6 =	vadd.f32 v8, v6  }
0x9a: {  	s0 =	sadd.s32 $0xDBC0, s0  }
0x9b: {  	vm4 =	vmand vm4, vm3;
	[tilespmem:s0+$0x0] =	vst v6;
	(ifvalue) =	ssetifvalue $0xFFFFFFFF  }
0x9c: {  	vm6 =	veq.s32 v9, $0x1;
	[hbm4b:s1+s16] =	stream.indirect_vreg.scatter [tilespmem:s0], [sflag:$0x2], $0x1, v7, vm0, $0x4038;
	v7 =	vsel vm4, $0x0, v8;
	[tilespmem:$0x11A60] =	vst v63  }
0x9d: {  	s2 =	simm.s32 $0x0;
	s22 =	sadd.s32 $0x10, s22;
	vm4 =	vmor vm6, vm5;
	v6 =	vsel vm5, v8, v10;
	v7 =	vshift.insert v7, v0, s21  }
.LBB2_7:
0x9e: {  	v8 =	vld [tilespmem:s22+$0x0];
	s30 =	sadd.s32 $0x10, s30  }
0x9f: {  	s31 =	sadd.s32 $0x10, s31;
	v9 =	vld [tilespmem:s30+$0x0]  }
0xa0: {  	s2 =	sadd.s32 $0x10, s2;
	v10 =	vld [tilespmem:s31+$0x0]  }
0xa1: {  	p2 =	slt.u32 s2, $0x1F30;
	_ =	sdelay $0x2  }
0xa2: {  	v7 =	vadd.f32 v9, v7  }
0xa3: {  	vm5 =	vne.s32 v8, $0xFFFFFFFF  }
0xa4: {  	vm6 =	vmand vm5, vm3;
	(xrf2) =	vadd.seg.scan.f32 vm5, v7;
	_ =	sdelay $0x5  }
0xa5: {  	vm7 =	veq.s32 v8, v5;
	vm5 =	veq.s32 v8, v3  }
0xa6: {  	vm8 =	vgt.u32 v8, $0xFFFFFFFD;
	vm4 =	vmor vm4, vm5;
	vm7 =	vmor vm7, vm5  }
0xa7: {  	vm7 =	vmor vm7, vm8  }
0xa8: {  	v8 =	vsel vm7, $0xFFFFFFFF, v8  }
.Ltmp5:
0xa9: {  	v7 =	vsel vm5, $0x0, v10;
	v9, _, _ =	vpop (xrf2);
	(pc) =	sbr.rel @p2 .LBB2_7-.Ltmp5, $4  }
0xaa: {  	v6 =	vsel vm5, v9, v6;
	v10 =	vadd.f32 v9, v7;
	v7 =	vsel vm6, $0x0, v9  }
0xab: {  	s0 =	sadd.s32 $0x10, s0;
	v7 =	vshift.insert v7, v0, s21  }
0xac: {  	s22 =	sadd.s32 $0x10, s22;
	[tilespmem:s0+$0x0] =	vst v10;
	(ifvalue) =	ssetifvalue $0xFFFFFFFF  }
0xad: {  	[hbm4b:s1+s16] =	stream.indirect_vreg.scatter [tilespmem:s0], [sflag:$0x2], $0x1, v8, vm0, $0x4038;
	[tilespmem:$0x11A60] =	vst v63  }
0xae: {  	v3 =	vld [tilespmem:s29+$0xFAF0];
	_ =	sdelay $0x4  }
0xaf: {  	v3 =	vshift.insert v3, v0, s21  }
0xb0: {  	s0 =	simm.s32 $0x30  }
0xb1: {  	[tilespmem:s0+$0x0] =	vst.msk $0x1, v3  }
0xb2: {  	v3 =	vsel vm4, $0x1, v1;
	[tilespmem:$0x90] =	vst v6  }
0xb3: {  	s0 =	sadd.s32 @!p1 $0xFAFF, s29;
	[tilespmem:$0xA0] =	vst v3  }
0xb4: {  	[spmem:s15] =	stream.linear.scatter @!p1 [tilespmem:s0], [sflag:$0x1], $0x1, $0x38;
	[tilespmem:$0x11A60] =	vst v63  }
0xb5: {  	s0 =	simm.s32 @!p1 $0x1  }
0xb6: {  	v3 =	vmctz.xlane @!p1 vm4;
	_ =	swait.ge @!p1 [sflag:s0], $0x1  }
0xb7: {  	(v2sf) =	vpush @!p1 v4, $0x0  }
0xb8: {  	(v2sf) =	vpush @!p1 v3, $0x0;
	_ =	sdelay $0xd  }
0xb9: {  	s2 =	spop @!p1 (v2sf)  }
0xba: {  	s22 =	spop @!p1 (v2sf)  }
0xbb: {  	p2 =	sne.s32 @!p1 s28, s2;
	p3 =	slt.s32 @!p1 s22, $0xF  }
0xbc: {  	[sflag:s0] =	ssyncset.done @!p1 $0x0;
	p2 =	por p2, p1;
	p3 =	por !p3, p1  }
0xbd: {  	[sflag:s0] =	ssyncadd.s32 @!p1 $0xFFFFFFFF;
	v3 =	vimm.s32 @!p2 $0xFFFFFFFF;
	s22 =	simm.s32 @p3 $0xF  }
0xbe: {  	[tilespmem:$0x80] =	vst @!p2 v3;
	s2 =	sadd.s32 @!p1 $0x90, s22  }
0xbf: {  	[spmem:s4] =	stream.linear.scatter @!p1 [tilespmem:s2], [sflag:$0x1], $0x1, $0x38;
	[tilespmem:$0x11A60] =	vst v63  }
0xc0: {  	_ =	swait.ge @!p1 [sflag:s0], $0x1  }
0xc1: {  	[sflag:s0] =	ssyncset.done @!p1 $0x0  }
0xc2: {  	s2 =	simm.s32 @!p1 $0x80;
	[sflag:s0] =	ssyncadd.s32 @!p1 $0xFFFFFFFF  }
0xc3: {  	[spmem:s13] =	stream.linear.scatter @!p1 [tilespmem:s2], [sflag:$0x1], $0x1, $0x38;
	[tilespmem:$0x11A60] =	vst v63  }
0xc4: {  	_ =	swait.ge @!p1 [sflag:s0], $0x1  }
0xc5: {  	[sflag:s0] =	ssyncset.done @!p1 $0x0  }
0xc6: {  	[sflag:s0] =	ssyncadd.s32 @!p1 $0xFFFFFFFF;
	(ifvalue) =	ssetifvalue $0xFFFFFFFF;
	v3 =	vld [tilespmem:s25+$0x10];
	_ =	sdelay $0x3  }
.Ltmp6:
0xc7: {  	_ = 	snop;
	(pc) =	sbr.rel .LBB2_9-.Ltmp6, $3  }
0xc8: {  	_ =	sdelay $0x1  }
0xc9: {  	(ifvalue) =	ssetifvalue $0xFFFFFFFF  }
0xca: {  	[hbm4b:s1+s16] =	stream.indirect_vreg.scatter [tilespmem:s26], [sflag:$0x9], $0x1, v3, vm0, $0x4038;
	[tilespmem:$0x11A60] =	vst v63  }
.LBB2_10:
0xcb: {  	_ =	sfence.sel $0x180000  }
0xcc: {  	s0 =	simm.s32 $0x7;
	[bflag:$0x0] =	sbarrier.arrive $0xFFFF  }
0xcd: {  	s26 =	simm.s32 $0x8;
	[sflag:s0] =	ssyncpa.u1 $0x1  }
0xce: {  	s28 =	simm.s32 $0x9;
	[sflag:s26] =	ssyncpa.u1 $0x1  }
0xcf: {  	[sflag:s28] =	ssyncpa.u1 $0x1  }
0xd0: {  	_ =	sfence.stream.spmem  }
0xd1: {  	s29 =	simm.s32 $0x3;
	[bflag:$0x0] =	sbarrier.arrive $0xFFFF  }
0xd2: {  	s30 =	simm.s32 $0x4;
	[sflag:s29] =	ssyncpa.u1 $0x1  }
0xd3: {  	s31 =	simm.s32 $0x3C;
	s2 =	stileid.u32;
	[sflag:s30] =	ssyncpa.u1 $0x1  }
0xd4: {  	p0 =	sne.s32 s2, $0x0;
	[sflag:s31] =	ssyncpa.u1 $0x1  }
0xd5: {  	s0 =	simm.s32 @p0 $0x1;
	_ =	sfence @p0  }
0xd6: {  	[sflag:s0] =	ssyncpa.u1 @p0 $0x1;
	s0 =	simm.s32 @p0 $0x2  }
0xd7: {  	[sflag:s0] =	ssyncpa.u1 @p0 $0x1  }
0xd8: {  	_ =	strace @p0 $0x90000047  }
0xd9: {  	[bflag:$0x2] =	sbarrier.arrive @p0 $0xFFFF  }
0xda: {  	_ =	shalt @p0  }
.LBB2_11:
0xdb: {  	_ =	sfence.stream.spmem;
	s0 =	simm.s32 $0x5  }
0xdc: {  	s2 =	simm.s32 $0x80;
	s3 =	simm.s32 $0xC0;
	[sflag:s0] =	ssyncpa.u1 $0x0  }
0xdd: {  	[tilespmem:s3], [sflag:$0x5] =	stream.linear.gather [spmem:s2], $0x20, $0x38;
	[tilespmem:$0x11A60] =	vst v63  }
0xde: {  	s2 =	simm.s32 $0x0;
	s3 =	simm.s32 $0xE0  }
0xdf: {  	[tilespmem:s3], [sflag:$0x5] =	stream.linear.gather [spmem:s2], $0x20, $0x38;
	[tilespmem:$0x11A60] =	vst v63  }
.Ltmp7:
0xe0: {  	_ = 	snop;
	(pc) =	sbr.rel .LBB2_12-.Ltmp7, $4  }
0xe1: {  	_ =	swait.ge [sflag:s0], $0x40  }
0xe2: {  	[sflag:s0] =	ssyncset.done $0x0  }
0xe3: {  	s31 =	simm.s32 $0x6;
	[sflag:s0] =	ssyncadd.s32 $0xFFFFFFC0  }
0xe4: {  	s4 =	simm.s32 $0x0;
	[sflag:s31] =	ssyncpa.u1 $0x0  }
.LBB2_17:
0xe5: {  	p0 =	sgt.u32 s5, $0x27FF  }
0xe6: {  	s0 =	sshrl.u32 @!p0 s5, $0x3  }
0xe7: {  	s5 =	sand.u32 @!p0 $0x7, s5;
	s6 =	simm.s32 @!p0 $0xB0;
	s0 =	sadd.s32 @!p0 s1, s0  }
0xe8: {  	[tilespmem:s6], [sflag:$0x6] =	stream.linear.gather @!p0 [hbm4b:s0+s5], $0x1, $0x38;
	[tilespmem:$0x11A60] =	vst v63  }
0xe9: {  	s0 =	simm.s32 @!p0 $0x6  }
0xea: {  	_ =	swait.ge @!p0 [sflag:s0], $0x1  }
0xeb: {  	[sflag:s0] =	ssyncset.done @!p0 $0x0  }
0xec: {  	[sflag:s0] =	ssyncadd.s32 @!p0 $0xFFFFFFFF  }
0xed: {  	v2 =	vmov @!p0 s4;
	v1 =	vld.msk @!p0 [tilespmem:$0xB0], $0x1;
	_ =	sdelay $0x3  }
0xee: {  	s0 =	simm.s32 @!p0 $0xE0  }
0xef: {  	[tilespmem:v2+s0+$0x0], v1 =	vst.idx.ret.add.f32.msk @!p0 $0x1, v1  }
0xf0: {  	[tilespmem:s2+$0xC0] =	vst.msk $0x1, v0  }
0xf1: {  	v0 =	vld.msk [tilespmem:s4+$0xE0], $0x1;
	_ =	sdelay $0x4  }
0xf2: {  	[tilespmem:s2+$0xE0] =	vst.msk $0x1, v0;
	s2 =	sadd.s32 $0x1, s2  }
.LBB2_19:
0xf3: {  	s4 =	sadd.s32 $0x1, s4  }
0xf4: {  	p0 =	sne.s32 s4, $0x20  }
.Ltmp8:
0xf5: {  	_ = 	snop;
	(pc) =	sbr.rel @!p0 .LBB2_20-.Ltmp8, $1  }
0xf6: {  	_ =	sdelay $0x3  }
.LBB2_12:
0xf7: {  	v0 =	vld.msk [tilespmem:s4+$0xC0], $0x1;
	_ =	sdelay $0x4  }
0xf8: {  	(v2sf) =	vpush v0, $0x0;
	_ =	sdelay $0xe  }
0xf9: {  	s5 =	spop (v2sf)  }
0xfa: {  	p0 =	seq.s32 s5, $0xFFFFFFFF  }
.Ltmp9:
0xfb: {  	_ = 	snop;
	(pc) =	sbr.rel @p0 .LBB2_19-.Ltmp9, $1  }
0xfc: {  	_ =	sdelay $0x3  }
0xfd: {  	p0 =	slt.s32 s2, $0x1  }
.Ltmp10:
0xfe: {  	_ = 	snop;
	(pc) =	sbr.rel @p0 .LBB2_17-.Ltmp10, $1  }
0xff: {  	_ =	sdelay $0x3  }
0x100: {  	s0 =	simm.s32 $0xC0;
	p0 =	por $0x0, $0x0  }
0x101: {  	v1 =	vld.msk @!p0 [tilespmem:s0+$0x0], $0x1;
	_ =	sdelay $0x4  }
0x102: {  	(v2sf) =	vpush @!p0 v1, $0x0;
	_ =	sdelay $0xd  }
0x103: {  	p2 =	sne.s32 s2, $0x1  }
.Ltmp11:
0x104: {  	s6 =	spop @!p0 (v2sf);
	(pc) =	sbr.rel @!p2 .LBB2_16-.Ltmp11, $4  }
0x105: {  	p1 =	seq.s32 @!p0 s5, s6  }
0x106: {  	s6 =	simm.s32 $0x0;
	p1 =	por !p1, p0  }
0x107: {  	s8 =	simm.s32 $0xFFFFFFFF;
	s6 =	simm.s32 @p1 $0xFFFFFFFF  }
0x108: {  	s7 =	simm.s32 $0x1;
	s6 =	smov.u32 @p0 s8  }
.LBB2_15:
0x109: {  	s8 =	smov.u32 s6;
	p0 =	sne.s32 s6, $0xFFFFFFFF  }
0x10a: {  	s0 =	sadd.s32 $0x1, s0;
	s6 =	smov.u32 s7;
	s7 =	sadd.s32 $0x1, s7  }
0x10b: {  	p1 =	sne.s32 s2, s7;
	v1 =	vld.msk @!p0 [tilespmem:s0+$0x0], $0x1;
	_ =	sdelay $0x4  }
0x10c: {  	(v2sf) =	vpush @!p0 v1, $0x0;
	_ =	sdelay $0xe  }
.Ltmp12:
0x10d: {  	s9 =	spop @!p0 (v2sf);
	(pc) =	sbr.rel @p1 .LBB2_15-.Ltmp12, $4  }
0x10e: {  	p2 =	seq.s32 @!p0 s5, s9  }
0x10f: {  	p2 =	por !p2, p0  }
0x110: {  	s6 =	simm.s32 @p2 $0xFFFFFFFF  }
0x111: {  	s6 =	smov.u32 @p0 s8  }
.LBB2_16:
0x112: {  	p0 =	sne.s32 s6, $0xFFFFFFFF  }
.Ltmp13:
0x113: {  	_ = 	snop;
	(pc) =	sbr.rel @!p0 .LBB2_17-.Ltmp13, $1  }
0x114: {  	_ =	sdelay $0x3  }
0x115: {  	v0 =	vld.msk [tilespmem:s4+$0xE0], $0x1;
	v1 =	vmov s6  }
.Ltmp14:
0x116: {  	_ = 	snop;
	(pc) =	sbr.rel .LBB2_19-.Ltmp14, $2  }
0x117: {  	_ =	sdelay $0x2  }
0x118: {  	[tilespmem:v1+s3+$0x0], v0 =	vst.idx.ret.add.f32.msk $0x1, v0  }
.LBB2_20:
0x119: {  	p0 =	slt.s32 s2, $0x1  }
.Ltmp15:
0x11a: {  	_ = 	snop;
	(pc) =	sbr.rel @p0 .LBB2_24-.Ltmp15, $3  }
0x11b: {  	_ =	sdelay $0x1  }
0x11c: {  	s0 =	simm.s32 $0x6  }
0x11d: {  	s3 =	simm.s32 $0x0;
	[sflag:s0] =	ssyncpa.u1 $0x1  }
0x11e: {  	s0 =	simm.s32 $0xC0  }
0x11f: {  	v0 =	vld.msk [tilespmem:s0+$0x0], $0x1;
	_ =	sdelay $0x4  }
0x120: {  	(v2sf) =	vpush v0, $0x0;
	_ =	sdelay $0xe  }
0x121: {  	s2 =	sadd.s32 $0xFFFFFFFF, s2;
	s4 =	spop (v2sf)  }
0x122: {  	p1 =	sne.s32 s2, $0x0;
	p0 =	sgt.u32 s4, $0x27FF  }
.Ltmp16:
0x123: {  	s5 =	sshrl.u32 @!p0 s4, $0x3;
	(pc) =	sbr.rel @!p1 .LBB2_23-.Ltmp16, $4  }
0x124: {  	s0 =	simm.s32 $0xE0;
	s4 =	sand.u32 @!p0 $0x7, s4;
	s5 =	sadd.s32 @!p0 s1, s5  }
0x125: {  	[hbm4b:s5+s4] =	stream.linear.scatter @!p0 [tilespmem:s0], [sflag:$0x5], $0x1, $0x38;
	[tilespmem:$0x11A60] =	vst v63  }
0x126: {  	s5 =	simm.s32 $0x0  }
0x127: {  	s4 =	simm.s32 $0xC1;
	s5 =	simm.s32 @!p0 $0x4  }
.LBB2_22:
0x128: {  	v0 =	vld.msk [tilespmem:s4+$0x0], $0x1;
	s2 =	sadd.s32 $0xFFFFFFFF, s2;
	s3 =	sadd.s32 s3, s5  }
0x129: {  	p0 =	sne.s32 s2, $0x0;
	_ =	sdelay $0x3  }
0x12a: {  	(v2sf) =	vpush v0, $0x0;
	_ =	sdelay $0xe  }
.Ltmp17:
0x12b: {  	s6 =	spop (v2sf);
	(pc) =	sbr.rel @p0 .LBB2_22-.Ltmp17, $4  }
0x12c: {  	s5 =	simm.s32 $0x0;
	p1 =	sgt.u32 s6, $0x27FF  }
0x12d: {  	s0 =	sadd.s32 $0x1, s0;
	s5 =	simm.s32 @!p1 $0x4;
	s7 =	sshrl.u32 @!p1 s6, $0x3  }
0x12e: {  	s4 =	sadd.s32 $0x1, s4;
	s6 =	sand.u32 @!p1 $0x7, s6;
	s7 =	sadd.s32 @!p1 s1, s7  }
0x12f: {  	[hbm4b:s7+s6] =	stream.linear.scatter @!p1 [tilespmem:s0], [sflag:$0x5], $0x1, $0x38;
	[tilespmem:$0x11A60] =	vst v63  }
.LBB2_23:
0x130: {  	s0 =	sadd.s32 s3, s5  }
0x131: {  	s3 =	sshrl.u32 s0, $0x2  }
.LBB2_24:
0x132: {  	s0 =	simm.s32 $0x5  }
0x133: {  	_ =	swait.ge [sflag:s0], s3  }
0x134: {  	s1 =	ssub.s32 $0x0, s3;
	[sflag:s0] =	ssyncset.done $0x0  }
0x135: {  	[sflag:s0] =	ssyncadd.s32 s1  }
0x136: {  	[sflag:s0] =	ssyncpa.u1 $0x1  }
0x137: {  	s29 =	simm.s32 $0x1;
	_ =	sfence  }
0x138: {  	s30 =	simm.s32 $0x2;
	[sflag:s29] =	ssyncpa.u1 $0x1  }
0x139: {  	[sflag:s30] =	ssyncpa.u1 $0x1  }
0x13a: {  	_ =	strace $0x90000047  }
0x13b: {  	[bflag:$0x2] =	sbarrier.arrive $0xFFFF  }
0x13c: {  	s31 =	rddreg [dreg:$0x2]  }
0x13d: {  	s0 =	sadd.s32 $0x100000, s31  }
0x13e: {  	[sflag:s0] =	ssyncadd.tile.s32 $0x1;
	_ =	shalt  }
.Lfunc_end2:
_tile_overlayer_lowered:
.L_overlay_start_2:
0x13f: {  	(tag) =	ssettag $0x2  }
0x140: {  	s0 =	rddreg [dreg:$0x0];
	s2 =	stileid.u32  }
0x141: {  	s1 =	rddreg [dreg:$0x1];
	p0 =	sne.s32 s2, $0x0  }
0x142: {  	s3 =	rddreg [dreg:$0x2];
	[bflag:$0x3] =	sbarrier.arrive $0xFFFF;
	s2 =	simm.s32 @!p0 $0x1C01  }
0x143: {  	[timem:s3], [sflag:s2] =	dma.local @!p0 [hbm:s0], s1  }
0x144: {  	s0 =	simm.s32 @!p0 $0x1  }
0x145: {  	_ =	swait.ge @!p0 [sflag:s0], s1  }
0x146: {  	s1 =	ssub.s32 @!p0 $0x0, s1;
	[sflag:s0] =	ssyncset.done @!p0 $0x0  }
0x147: {  	[sflag:s0] =	ssyncadd.s32 @!p0 s1  }
0x148: {  	[bflag:$0x3] =	sbarrier.arrive $0xFFFF  }
0x149: {  	_ =	shalt  }

</sc_bundles>
